<compile_context>
chip_gen: v7x
topology: tpu7x:2x2x1
jax: 0.10.2.dev20260603
libtpu: 0.0.44.dev20260713+nightly
codegen_flags: <defaults>
</compile_context>

<pallas_src>
import functools

import jax
import jax.numpy as jnp
from jax import lax
from jax.experimental import pallas as pl
from jax.experimental.pallas import tpu as pltpu
from jax.experimental.pallas import tpu_sc as plsc

N = 100000
NHID = 128
G = 512
NC = 2
NS = 16
NW = NC * NS
RB = 128
NFULL = N // RB
TAIL = N - NFULL * RB
TAIL_BASE = N - RB
TAIL_IDS = NFULL * RB
NBLOCKS = NFULL + 1
BASE_BLK = NBLOCKS // NW
EXTRA = NBLOCKS - BASE_BLK * NW
MAXBLK = BASE_BLK + 1
PAD_SEG = G
ACC_ROWS = 640
ZROWS = ACC_ROWS // NS
L = 16
NJ = NHID // L
CAP = 64

_mesh = plsc.VectorSubcoreMesh(
    core_axis_name="c", subcore_axis_name="s", num_cores=NC, num_subcores=NS
)


@functools.partial(
    pl.kernel,
    out_type=jax.ShapeDtypeStruct((NC, G, NHID), jnp.float32),
    mesh=_mesh,
    compiler_params=pltpu.CompilerParams(needs_layout_passes=False),
    scratch_types=[
        pltpu.VMEM((MAXBLK, RB), jnp.int32),
        pltpu.VMEM((2, RB, NHID), jnp.float32),
        pltpu.VMEM((ZROWS, NHID), jnp.float32),
        pltpu.VMEM_SHARED((ACC_ROWS, NHID), jnp.float32),
        pltpu.VMEM((CAP, NHID), jnp.float32),
        pltpu.VMEM((8, CAP), jnp.int32),
        pltpu.SemaphoreType.DMA((2,)),
        pltpu.SemaphoreType.DMA,
        pltpu.SemaphoreType.DMA((2,)),
    ],
)
def _sc_segment_sum(
    ids_hbm, x_hbm, zeros_hbm, pad_hbm, out_hbm,
    ids_v, xbuf, zbuf, acc_sh, accl, idx2d, sem, isem, sem_sc
):
    cid = lax.axis_index("c")
    sid = lax.axis_index("s")
    wid = sid * NC + cid

    blk0 = wid * BASE_BLK + jnp.minimum(wid, EXTRA)
    nblk = BASE_BLK + jnp.where(wid < EXTRA, 1, 0)

    pltpu.sync_copy(zeros_hbm, zbuf)
    pltpu.sync_copy(zbuf, acc_sh.at[pl.ds(pl.multiple_of(sid * ZROWS, 8), ZROWS)])

    def _stage_ids(j, carry):
        blk = blk0 + j

        @pl.when(blk < NFULL)
        def _():
            pltpu.async_copy(
                ids_hbm.at[pl.ds(pl.multiple_of(blk * RB, 8), RB)],
                ids_v.at[j],
                isem,
            )

        @pl.when(blk == NFULL)
        def _():
            pltpu.sync_copy(pad_hbm, ids_v.at[j])
            pltpu.async_copy(
                ids_hbm.at[pl.ds(TAIL_IDS, TAIL)],
                ids_v.at[j].at[pl.ds(RB - TAIL, TAIL)],
                isem,
            )

        return carry

    lax.fori_loop(0, nblk, _stage_ids, 0)

    def _drain_ids(j, carry):
        blk = blk0 + j

        @pl.when(blk < NFULL)
        def _():
            pltpu.make_async_copy(
                ids_hbm.at[pl.ds(pl.multiple_of(blk * RB, 8), RB)],
                ids_v.at[j],
                isem,
            ).wait()

        @pl.when(blk == NFULL)
        def _():
            pltpu.make_async_copy(
                ids_hbm.at[pl.ds(TAIL_IDS, TAIL)],
                ids_v.at[j].at[pl.ds(RB - TAIL, TAIL)],
                isem,
            ).wait()

        return carry

    lax.fori_loop(0, nblk, _drain_ids, 0)

    iota = lax.broadcasted_iota(jnp.int32, (L,), 0)
    zero16 = jnp.zeros((L,), jnp.float32)
    seg_lo = jnp.min(ids_v[0, pl.ds(0, L)])
    seg_hi = jnp.max(ids_v[nblk - 1, pl.ds(NHID - L, L)])
    fallback = (seg_hi - seg_lo) >= CAP

    def _zero_accl(g, carry):
        for jj in range(NJ):
            accl[g, pl.ds(L * jj, L)] = zero16
        return carry

    lax.fori_loop(0, CAP, _zero_accl, 0)

    seg_lo16 = jnp.full((L,), seg_lo, jnp.int32)
    for m in range(CAP // L):
        idx2d[0, pl.ds(L * m, L)] = seg_lo16 + iota + L * m

    plsc.subcore_barrier()

    def _xsrc(blk):
        row_base = pl.multiple_of(
            jnp.where(blk == NFULL, TAIL_BASE, blk * RB), 8
        )
        return x_hbm.at[pl.ds(row_base, RB)]

    def _stage(j, p):
        pltpu.async_copy(_xsrc(blk0 + j), xbuf.at[p], sem.at[p])

    def _wait_scatter(j, p):
        pltpu.make_async_copy(
            xbuf.at[p], acc_sh.at[ids_v.at[j]], sem_sc.at[p]
        ).wait()

    _stage(0, 0)

    def _block(j, pend):
        pend0, pend1 = pend
        p = lax.rem(j, 2)
        blk = blk0 + j
        other = jnp.where(p == 0, pend1, pend0)

        @pl.when(other > 0)
        def _():
            _wait_scatter(other - 1, 1 - p)

        @pl.when(j + 1 < nblk)
        def _():
            _stage(j + 1, 1 - p)

        pltpu.make_async_copy(_xsrc(blk), xbuf.at[p], sem.at[p]).wait()

        single = jnp.min(ids_v[j, pl.ds(0, L)]) == jnp.max(
            ids_v[j, pl.ds(NHID - L, L)]
        )
        use_vpu = jnp.logical_and(single, jnp.logical_not(fallback))

        def _vpu(_):
            def _rows(r, chains):
                return tuple(
                    chains[jj] + xbuf[p, r, pl.ds(L * jj, L)]
                    for jj in range(NJ)
                )

            chains = lax.fori_loop(
                0, RB, _rows, tuple(zero16 for _ in range(NJ))
            )
            row = jnp.min(ids_v[j, pl.ds(0, L)]) - seg_lo
            for jj in range(NJ):
                accl[row, pl.ds(L * jj, L)] = (
                    accl[row, pl.ds(L * jj, L)] + chains[jj]
                )
            return 0

        def _stream(_):
            pltpu.make_async_copy(
                xbuf.at[p], acc_sh.at[ids_v.at[j]], sem_sc.at[p]
            ).start(add=True)
            return 0

        lax.cond(use_vpu, _vpu, _stream, 0)
        issued = jnp.where(use_vpu, 0, j + 1).astype(jnp.int32)
        pend0n = jnp.where(p == 0, issued, jnp.int32(0))
        pend1n = jnp.where(p == 0, jnp.int32(0), issued)
        return (pend0n, pend1n)

    pend0, pend1 = lax.fori_loop(
        0, nblk, _block, (jnp.int32(0), jnp.int32(0))
    )

    @pl.when(pend0 > 0)
    def _():
        _wait_scatter(pend0 - 1, 0)

    @pl.when(pend1 > 0)
    def _():
        _wait_scatter(pend1 - 1, 1)

    @pl.when(jnp.logical_not(fallback))
    def _():
        pltpu.sync_copy(accl, acc_sh.at[idx2d.at[0]], add=True)

    plsc.subcore_barrier()

    rows_out = G // NS
    r0 = pl.multiple_of(sid * rows_out, 8)
    pltpu.sync_copy(acc_sh.at[pl.ds(r0, rows_out)], zbuf.at[pl.ds(0, rows_out)])
    pltpu.sync_copy(zbuf.at[pl.ds(0, rows_out)], out_hbm.at[cid].at[pl.ds(r0, rows_out)])


def _tc_finish_body(p_ref, w_ref, b_ref, o_ref):
    pooled = p_ref[0] + p_ref[1]
    o_ref[...] = (
        lax.dot_general(
            pooled,
            w_ref[...],
            (((1,), (1,)), ((), ())),
            preferred_element_type=jnp.float32,
        )
        + b_ref[...]
    )


def kernel(x, edge_attr, node_batch, W, b):
    del edge_attr
    ids = node_batch.astype(jnp.int32)
    zeros = jnp.zeros((ZROWS, NHID), jnp.float32)
    pad_row = jnp.full((RB,), PAD_SEG, jnp.int32)
    partials = _sc_segment_sum(ids, x, zeros, pad_row)
    out = pl.pallas_call(
        _tc_finish_body,
        out_shape=jax.ShapeDtypeStruct((G, NHID), jnp.float32),
    )(partials, W, b.reshape(1, NHID))
    return out

# --- scband reference (transcript-rebuilt; emitter-appended) ---
"""Pipeline reference for scband-node-edge-pooling-7499012898891 (READ-ONLY COPY).

The authoritative reference and input builder live on the scoring server;
editing this copy changes nothing except your own understanding.
"""

import jax, jax.numpy as jnp
import numpy as np

N = 100000
NHID = 128
E = 1600000
DE = 4
G = 512

def setup_inputs(seed: int = 0) -> dict:
    key = jax.random.key(seed)
    k1, k2, k3, k4, k5 = jax.random.split(key, 5)
    x = jax.random.normal(k1, (N, NHID), dtype=jnp.float32)
    edge_attr = jax.random.normal(k2, (E, DE), dtype=jnp.float32)
    node_batch = jnp.sort(jax.random.randint(k3, (N,), 0, G))
    W = jax.random.normal(k4, (NHID, NHID), dtype=jnp.float32) * (1.0 / np.sqrt(NHID))
    b = jax.random.normal(k5, (NHID,), dtype=jnp.float32) * 0.01
    return {"x": x, "edge_attr": edge_attr, "node_batch": node_batch, "W": W, "b": b}

def reference(x, edge_attr, node_batch, W, b):
    # global_add_pool: segment-sum node features by graph id
    pooled = jax.ops.segment_sum(x, node_batch, num_segments=G)
    # graph_linear: y = pooled @ W^T + b  (edge_attr is unused, matching the torch module)
    out = pooled @ W.T + b
    return out

if __name__ == "__main__":
    import jax
    _d = setup_inputs()
    print(jax.jit(kernel)(*tuple(_d.values())))

</pallas_src>

<mosaic_0001>
#map = affine_map<(d0, d1) -> (0)>
#map1 = affine_map<(d0, d1) -> (0, 0)>
#map2 = affine_map<(d0, d1) -> (0, 0, 0)>
module attributes {stable_mosaic.version = 14 : i64} {
  func.func @_sc_segment_sum(%arg0: i32, %arg1: i32, %arg2: memref<100000xi32, #tpu.memory_space<hbm>>, %arg3: memref<100000x128xf32, #tpu.memory_space<hbm>>, %arg4: memref<40x128xf32, #tpu.memory_space<hbm>>, %arg5: memref<128xi32, #tpu.memory_space<hbm>>, %arg6: memref<2x512x128xf32, #tpu.memory_space<hbm>>, %arg7: memref<25x128xi32, #tpu.memory_space<vmem>>, %arg8: memref<2x128x128xf32, #tpu.memory_space<vmem>>, %arg9: memref<40x128xf32, #tpu.memory_space<vmem>>, %arg10: memref<640x128xf32, #tpu.memory_space<vmem_shared>>, %arg11: memref<64x128xf32, #tpu.memory_space<vmem>>, %arg12: memref<8x64xi32, #tpu.memory_space<vmem>>, %arg13: memref<2x!tpu.dma_semaphore, #tpu.memory_space<semaphore_mem>>, %arg14: memref<!tpu.dma_semaphore, #tpu.memory_space<semaphore_mem>>, %arg15: memref<2x!tpu.dma_semaphore, #tpu.memory_space<semaphore_mem>>) attributes {dimension_semantics = [#tpu.dimension_semantics<core_parallel>, #tpu.dimension_semantics<subcore_parallel>], iteration_bounds = array<i64: 2, 16>, scalar_prefetch = 0 : i64, scratch_operands = 9 : i64, tpu.core_type = #tpu.core_type<sc_vector_subcore>, window_params = [{transform_indices = #map}, {transform_indices = #map1}, {transform_indices = #map1}, {transform_indices = #map}, {transform_indices = #map2}]} {
    %mul3A = arith.constant 2 : i32
    %mul3A_0 = arith.muli %arg1, %mul3A : i32
    %add3A = arith.addi %mul3A_0, %arg0 : i32
    %mul3A_1 = arith.constant 24 : i32
    %mul3A_2 = arith.muli %add3A, %mul3A_1 : i32
    %min3A = arith.constant 14 : i32
    %min3A_3 = arith.minsi %add3A, %min3A : i32
    %add3A_4 = arith.addi %mul3A_2, %min3A_3 : i32
    %lt3A = arith.constant 14 : i32
    %lt3A_5 = arith.cmpi slt, %add3A, %lt3A : i32
    %jit3A = arith.constant 1 : i32
    %jit3A_6 = arith.constant 0 : i32
    %select_n3A = arith.select %lt3A_5, %jit3A, %jit3A_6 : i32
    %add3A_7 = arith.constant 24 : i32
    %add3A_8 = arith.addi %add3A_7, %select_n3A : i32
    "tpu.region"() ({
      %run_scoped3A = tpu.sem_alloc : memref<!tpu.dma_semaphore, #tpu.memory_space<semaphore_mem>>
      tpu.enqueue_dma source(%arg4 : memref<40x128xf32, #tpu.memory_space<hbm>>) target(%arg9 : memref<40x128xf32, #tpu.memory_space<vmem>>) target_semaphore(%run_scoped3A : memref<!tpu.dma_semaphore, #tpu.memory_space<semaphore_mem>>)
      tpu.wait_dma2 semaphore(%run_scoped3A : memref<!tpu.dma_semaphore, #tpu.memory_space<semaphore_mem>>) src(%arg4 : memref<40x128xf32, #tpu.memory_space<hbm>>) dst(%arg9 : memref<40x128xf32, #tpu.memory_space<vmem>>)
      tpu.yield
    }) : () -> ()
    %mul3A_9 = arith.constant 40 : i32
    %mul3A_10 = arith.muli %arg1, %mul3A_9 : i32
    %multiple_of3A = tpu.assume_multiple %mul3A_10, 8 : i32
    "tpu.region"() ({
      %run_scoped3A = tpu.sem_alloc : memref<!tpu.dma_semaphore, #tpu.memory_space<semaphore_mem>>
      %dma_start3A_142 = arith.constant 0 : i32
      %dma_start3A_143 = tpu.memref_slice %arg10[%multiple_of3A, %dma_start3A_142] : memref<640x128xf32, #tpu.memory_space<vmem_shared>> -> memref<40x128xf32, #tpu.memory_space<vmem_shared>>
      %dma_start3A_144 = arith.constant 0 : i32
      %dma_start3A_145 = tpu.memref_slice %arg10[%multiple_of3A, %dma_start3A_144] : memref<640x128xf32, #tpu.memory_space<vmem_shared>> -> memref<40x128xf32, #tpu.memory_space<vmem_shared>>
      tpu.enqueue_dma source(%arg9 : memref<40x128xf32, #tpu.memory_space<vmem>>) target(%dma_start3A_145 : memref<40x128xf32, #tpu.memory_space<vmem_shared>>) target_semaphore(%run_scoped3A : memref<!tpu.dma_semaphore, #tpu.memory_space<semaphore_mem>>)
      %dma_wait3A = arith.constant 0 : i32
      %dma_wait3A_146 = tpu.memref_slice %arg10[%multiple_of3A, %dma_wait3A] : memref<640x128xf32, #tpu.memory_space<vmem_shared>> -> memref<40x128xf32, #tpu.memory_space<vmem_shared>>
      %dma_wait3A_147 = arith.constant 0 : i32
      %dma_wait3A_148 = tpu.memref_slice %arg10[%multiple_of3A, %dma_wait3A_147] : memref<640x128xf32, #tpu.memory_space<vmem_shared>> -> memref<40x128xf32, #tpu.memory_space<vmem_shared>>
      tpu.wait_dma2 semaphore(%run_scoped3A : memref<!tpu.dma_semaphore, #tpu.memory_space<semaphore_mem>>) src(%arg9 : memref<40x128xf32, #tpu.memory_space<vmem>>) dst(%dma_wait3A_148 : memref<40x128xf32, #tpu.memory_space<vmem_shared>>)
      tpu.yield
    }) : () -> ()
    %while3A = arith.constant 0 : i32
    %while3A_11 = arith.constant 0 : i32
    %while3A_12 = arith.subi %add3A_8, %while3A_11 : i32
    %while3A_13 = arith.addi %while3A_11, %while3A_12 : i32
    %while3A_14 = arith.constant 1 : i32
    %while3A_15 = arith.divsi %while3A_12, %while3A_14 : i32
    %while3A_16 = arith.muli %while3A_15, %while3A_14 : i32
    %while3A_17 = arith.addi %while3A_11, %while3A_16 : i32
    %while3A_18 = arith.constant 1 : i32
    scf.for %while3A_142 = %while3A_11 to %while3A_17 step %while3A_18  : i32 {
      %add3A_143 = arith.addi %add3A_4, %while3A_142 : i32
      %lt3A_144 = arith.constant 781 : i32
      %lt3A_145 = arith.cmpi slt, %add3A_143, %lt3A_144 : i32
      %convert_element_type3A_146 = arith.extui %lt3A_145 : i1 to i32
      %cond3A_147 = arith.constant 0 : i32
      %cond3A_148 = arith.cmpi ne, %convert_element_type3A_146, %cond3A_147 : i32
      scf.if %cond3A_148 {
        %mul3A_154 = arith.constant 128 : i32
        %mul3A_155 = arith.muli %add3A_143, %mul3A_154 : i32
        %multiple_of3A_156 = tpu.assume_multiple %mul3A_155, 8 : i32
        %dma_start3A_157 = arith.constant 0 : i32
        %dma_start3A_158 = tpu.memref_slice %arg7[%while3A_142, %dma_start3A_157] : memref<25x128xi32, #tpu.memory_space<vmem>> -> memref<1x128xi32, #tpu.memory_space<vmem>>
        %dma_start3A_159 = tpu.memref_squeeze %dma_start3A_158 : memref<1x128xi32, #tpu.memory_space<vmem>> -> memref<128xi32, #tpu.memory_space<vmem>>
        %dma_start3A_160 = tpu.memref_slice %arg2[%multiple_of3A_156] : memref<100000xi32, #tpu.memory_space<hbm>> -> memref<128xi32, #tpu.memory_space<hbm>>
        %dma_start3A_161 = arith.constant 0 : i32
        %dma_start3A_162 = tpu.memref_slice %arg7[%while3A_142, %dma_start3A_161] : memref<25x128xi32, #tpu.memory_space<vmem>> -> memref<1x128xi32, #tpu.memory_space<vmem>>
        %dma_start3A_163 = tpu.memref_squeeze %dma_start3A_162 : memref<1x128xi32, #tpu.memory_space<vmem>> -> memref<128xi32, #tpu.memory_space<vmem>>
        %dma_start3A_164 = tpu.memref_slice %arg2[%multiple_of3A_156] : memref<100000xi32, #tpu.memory_space<hbm>> -> memref<128xi32, #tpu.memory_space<hbm>>
        tpu.enqueue_dma source(%dma_start3A_164 : memref<128xi32, #tpu.memory_space<hbm>>) target(%dma_start3A_163 : memref<128xi32, #tpu.memory_space<vmem>>) target_semaphore(%arg14 : memref<!tpu.dma_semaphore, #tpu.memory_space<semaphore_mem>>)
      } else {
      }
      %eq3A_149 = arith.constant 781 : i32
      %eq3A_150 = arith.cmpi eq, %add3A_143, %eq3A_149 : i32
      %convert_element_type3A_151 = arith.extui %eq3A_150 : i1 to i32
      %cond3A_152 = arith.constant 0 : i32
      %cond3A_153 = arith.cmpi ne, %convert_element_type3A_151, %cond3A_152 : i32
      scf.if %cond3A_153 {
        "tpu.region"() ({
          %run_scoped3A = tpu.sem_alloc : memref<!tpu.dma_semaphore, #tpu.memory_space<semaphore_mem>>
          %dma_start3A_168 = arith.constant 0 : i32
          %dma_start3A_169 = tpu.memref_slice %arg7[%while3A_142, %dma_start3A_168] : memref<25x128xi32, #tpu.memory_space<vmem>> -> memref<1x128xi32, #tpu.memory_space<vmem>>
          %dma_start3A_170 = tpu.memref_squeeze %dma_start3A_169 : memref<1x128xi32, #tpu.memory_space<vmem>> -> memref<128xi32, #tpu.memory_space<vmem>>
          %dma_start3A_171 = arith.constant 0 : i32
          %dma_start3A_172 = tpu.memref_slice %arg7[%while3A_142, %dma_start3A_171] : memref<25x128xi32, #tpu.memory_space<vmem>> -> memref<1x128xi32, #tpu.memory_space<vmem>>
          %dma_start3A_173 = tpu.memref_squeeze %dma_start3A_172 : memref<1x128xi32, #tpu.memory_space<vmem>> -> memref<128xi32, #tpu.memory_space<vmem>>
          tpu.enqueue_dma source(%arg5 : memref<128xi32, #tpu.memory_space<hbm>>) target(%dma_start3A_173 : memref<128xi32, #tpu.memory_space<vmem>>) target_semaphore(%run_scoped3A : memref<!tpu.dma_semaphore, #tpu.memory_space<semaphore_mem>>)
          %dma_wait3A = arith.constant 0 : i32
          %dma_wait3A_174 = tpu.memref_slice %arg7[%while3A_142, %dma_wait3A] : memref<25x128xi32, #tpu.memory_space<vmem>> -> memref<1x128xi32, #tpu.memory_space<vmem>>
          %dma_wait3A_175 = tpu.memref_squeeze %dma_wait3A_174 : memref<1x128xi32, #tpu.memory_space<vmem>> -> memref<128xi32, #tpu.memory_space<vmem>>
          %dma_wait3A_176 = arith.constant 0 : i32
          %dma_wait3A_177 = tpu.memref_slice %arg7[%while3A_142, %dma_wait3A_176] : memref<25x128xi32, #tpu.memory_space<vmem>> -> memref<1x128xi32, #tpu.memory_space<vmem>>
          %dma_wait3A_178 = tpu.memref_squeeze %dma_wait3A_177 : memref<1x128xi32, #tpu.memory_space<vmem>> -> memref<128xi32, #tpu.memory_space<vmem>>
          tpu.wait_dma2 semaphore(%run_scoped3A : memref<!tpu.dma_semaphore, #tpu.memory_space<semaphore_mem>>) src(%arg5 : memref<128xi32, #tpu.memory_space<hbm>>) dst(%dma_wait3A_178 : memref<128xi32, #tpu.memory_space<vmem>>)
          tpu.yield
        }) : () -> ()
        %dma_start3A_154 = arith.constant 0 : i32
        %dma_start3A_155 = tpu.memref_slice %arg7[%while3A_142, %dma_start3A_154] : memref<25x128xi32, #tpu.memory_space<vmem>> -> memref<1x128xi32, #tpu.memory_space<vmem>>
        %dma_start3A_156 = tpu.memref_squeeze %dma_start3A_155 : memref<1x128xi32, #tpu.memory_space<vmem>> -> memref<128xi32, #tpu.memory_space<vmem>>
        %dma_start3A_157 = arith.constant 96 : i32
        %dma_start3A_158 = tpu.memref_slice %dma_start3A_156[%dma_start3A_157] : memref<128xi32, #tpu.memory_space<vmem>> -> memref<32xi32, #tpu.memory_space<vmem>>
        %dma_start3A_159 = arith.constant 99968 : i32
        %dma_start3A_160 = tpu.memref_slice %arg2[%dma_start3A_159] : memref<100000xi32, #tpu.memory_space<hbm>> -> memref<32xi32, #tpu.memory_space<hbm>>
        %dma_start3A_161 = arith.constant 0 : i32
        %dma_start3A_162 = tpu.memref_slice %arg7[%while3A_142, %dma_start3A_161] : memref<25x128xi32, #tpu.memory_space<vmem>> -> memref<1x128xi32, #tpu.memory_space<vmem>>
        %dma_start3A_163 = tpu.memref_squeeze %dma_start3A_162 : memref<1x128xi32, #tpu.memory_space<vmem>> -> memref<128xi32, #tpu.memory_space<vmem>>
        %dma_start3A_164 = arith.constant 96 : i32
        %dma_start3A_165 = tpu.memref_slice %dma_start3A_163[%dma_start3A_164] : memref<128xi32, #tpu.memory_space<vmem>> -> memref<32xi32, #tpu.memory_space<vmem>>
        %dma_start3A_166 = arith.constant 99968 : i32
        %dma_start3A_167 = tpu.memref_slice %arg2[%dma_start3A_166] : memref<100000xi32, #tpu.memory_space<hbm>> -> memref<32xi32, #tpu.memory_space<hbm>>
        tpu.enqueue_dma source(%dma_start3A_167 : memref<32xi32, #tpu.memory_space<hbm>>) target(%dma_start3A_165 : memref<32xi32, #tpu.memory_space<vmem>>) target_semaphore(%arg14 : memref<!tpu.dma_semaphore, #tpu.memory_space<semaphore_mem>>)
      } else {
      }
    }
    %while3A_19 = arith.constant 1 : i32
    scf.for %while3A_142 = %while3A_17 to %while3A_13 step %while3A_19  : i32 {
      %add3A_143 = arith.addi %add3A_4, %while3A_142 : i32
      %lt3A_144 = arith.constant 781 : i32
      %lt3A_145 = arith.cmpi slt, %add3A_143, %lt3A_144 : i32
      %convert_element_type3A_146 = arith.extui %lt3A_145 : i1 to i32
      %cond3A_147 = arith.constant 0 : i32
      %cond3A_148 = arith.cmpi ne, %convert_element_type3A_146, %cond3A_147 : i32
      scf.if %cond3A_148 {
        %mul3A_154 = arith.constant 128 : i32
        %mul3A_155 = arith.muli %add3A_143, %mul3A_154 : i32
        %multiple_of3A_156 = tpu.assume_multiple %mul3A_155, 8 : i32
        %dma_start3A_157 = arith.constant 0 : i32
        %dma_start3A_158 = tpu.memref_slice %arg7[%while3A_142, %dma_start3A_157] : memref<25x128xi32, #tpu.memory_space<vmem>> -> memref<1x128xi32, #tpu.memory_space<vmem>>
        %dma_start3A_159 = tpu.memref_squeeze %dma_start3A_158 : memref<1x128xi32, #tpu.memory_space<vmem>> -> memref<128xi32, #tpu.memory_space<vmem>>
        %dma_start3A_160 = tpu.memref_slice %arg2[%multiple_of3A_156] : memref<100000xi32, #tpu.memory_space<hbm>> -> memref<128xi32, #tpu.memory_space<hbm>>
        %dma_start3A_161 = arith.constant 0 : i32
        %dma_start3A_162 = tpu.memref_slice %arg7[%while3A_142, %dma_start3A_161] : memref<25x128xi32, #tpu.memory_space<vmem>> -> memref<1x128xi32, #tpu.memory_space<vmem>>
        %dma_start3A_163 = tpu.memref_squeeze %dma_start3A_162 : memref<1x128xi32, #tpu.memory_space<vmem>> -> memref<128xi32, #tpu.memory_space<vmem>>
        %dma_start3A_164 = tpu.memref_slice %arg2[%multiple_of3A_156] : memref<100000xi32, #tpu.memory_space<hbm>> -> memref<128xi32, #tpu.memory_space<hbm>>
        tpu.enqueue_dma source(%dma_start3A_164 : memref<128xi32, #tpu.memory_space<hbm>>) target(%dma_start3A_163 : memref<128xi32, #tpu.memory_space<vmem>>) target_semaphore(%arg14 : memref<!tpu.dma_semaphore, #tpu.memory_space<semaphore_mem>>)
      } else {
      }
      %eq3A_149 = arith.constant 781 : i32
      %eq3A_150 = arith.cmpi eq, %add3A_143, %eq3A_149 : i32
      %convert_element_type3A_151 = arith.extui %eq3A_150 : i1 to i32
      %cond3A_152 = arith.constant 0 : i32
      %cond3A_153 = arith.cmpi ne, %convert_element_type3A_151, %cond3A_152 : i32
      scf.if %cond3A_153 {
        "tpu.region"() ({
          %run_scoped3A = tpu.sem_alloc : memref<!tpu.dma_semaphore, #tpu.memory_space<semaphore_mem>>
          %dma_start3A_168 = arith.constant 0 : i32
          %dma_start3A_169 = tpu.memref_slice %arg7[%while3A_142, %dma_start3A_168] : memref<25x128xi32, #tpu.memory_space<vmem>> -> memref<1x128xi32, #tpu.memory_space<vmem>>
          %dma_start3A_170 = tpu.memref_squeeze %dma_start3A_169 : memref<1x128xi32, #tpu.memory_space<vmem>> -> memref<128xi32, #tpu.memory_space<vmem>>
          %dma_start3A_171 = arith.constant 0 : i32
          %dma_start3A_172 = tpu.memref_slice %arg7[%while3A_142, %dma_start3A_171] : memref<25x128xi32, #tpu.memory_space<vmem>> -> memref<1x128xi32, #tpu.memory_space<vmem>>
          %dma_start3A_173 = tpu.memref_squeeze %dma_start3A_172 : memref<1x128xi32, #tpu.memory_space<vmem>> -> memref<128xi32, #tpu.memory_space<vmem>>
          tpu.enqueue_dma source(%arg5 : memref<128xi32, #tpu.memory_space<hbm>>) target(%dma_start3A_173 : memref<128xi32, #tpu.memory_space<vmem>>) target_semaphore(%run_scoped3A : memref<!tpu.dma_semaphore, #tpu.memory_space<semaphore_mem>>)
          %dma_wait3A = arith.constant 0 : i32
          %dma_wait3A_174 = tpu.memref_slice %arg7[%while3A_142, %dma_wait3A] : memref<25x128xi32, #tpu.memory_space<vmem>> -> memref<1x128xi32, #tpu.memory_space<vmem>>
          %dma_wait3A_175 = tpu.memref_squeeze %dma_wait3A_174 : memref<1x128xi32, #tpu.memory_space<vmem>> -> memref<128xi32, #tpu.memory_space<vmem>>
          %dma_wait3A_176 = arith.constant 0 : i32
          %dma_wait3A_177 = tpu.memref_slice %arg7[%while3A_142, %dma_wait3A_176] : memref<25x128xi32, #tpu.memory_space<vmem>> -> memref<1x128xi32, #tpu.memory_space<vmem>>
          %dma_wait3A_178 = tpu.memref_squeeze %dma_wait3A_177 : memref<1x128xi32, #tpu.memory_space<vmem>> -> memref<128xi32, #tpu.memory_space<vmem>>
          tpu.wait_dma2 semaphore(%run_scoped3A : memref<!tpu.dma_semaphore, #tpu.memory_space<semaphore_mem>>) src(%arg5 : memref<128xi32, #tpu.memory_space<hbm>>) dst(%dma_wait3A_178 : memref<128xi32, #tpu.memory_space<vmem>>)
          tpu.yield
        }) : () -> ()
        %dma_start3A_154 = arith.constant 0 : i32
        %dma_start3A_155 = tpu.memref_slice %arg7[%while3A_142, %dma_start3A_154] : memref<25x128xi32, #tpu.memory_space<vmem>> -> memref<1x128xi32, #tpu.memory_space<vmem>>
        %dma_start3A_156 = tpu.memref_squeeze %dma_start3A_155 : memref<1x128xi32, #tpu.memory_space<vmem>> -> memref<128xi32, #tpu.memory_space<vmem>>
        %dma_start3A_157 = arith.constant 96 : i32
        %dma_start3A_158 = tpu.memref_slice %dma_start3A_156[%dma_start3A_157] : memref<128xi32, #tpu.memory_space<vmem>> -> memref<32xi32, #tpu.memory_space<vmem>>
        %dma_start3A_159 = arith.constant 99968 : i32
        %dma_start3A_160 = tpu.memref_slice %arg2[%dma_start3A_159] : memref<100000xi32, #tpu.memory_space<hbm>> -> memref<32xi32, #tpu.memory_space<hbm>>
        %dma_start3A_161 = arith.constant 0 : i32
        %dma_start3A_162 = tpu.memref_slice %arg7[%while3A_142, %dma_start3A_161] : memref<25x128xi32, #tpu.memory_space<vmem>> -> memref<1x128xi32, #tpu.memory_space<vmem>>
        %dma_start3A_163 = tpu.memref_squeeze %dma_start3A_162 : memref<1x128xi32, #tpu.memory_space<vmem>> -> memref<128xi32, #tpu.memory_space<vmem>>
        %dma_start3A_164 = arith.constant 96 : i32
        %dma_start3A_165 = tpu.memref_slice %dma_start3A_163[%dma_start3A_164] : memref<128xi32, #tpu.memory_space<vmem>> -> memref<32xi32, #tpu.memory_space<vmem>>
        %dma_start3A_166 = arith.constant 99968 : i32
        %dma_start3A_167 = tpu.memref_slice %arg2[%dma_start3A_166] : memref<100000xi32, #tpu.memory_space<hbm>> -> memref<32xi32, #tpu.memory_space<hbm>>
        tpu.enqueue_dma source(%dma_start3A_167 : memref<32xi32, #tpu.memory_space<hbm>>) target(%dma_start3A_165 : memref<32xi32, #tpu.memory_space<vmem>>) target_semaphore(%arg14 : memref<!tpu.dma_semaphore, #tpu.memory_space<semaphore_mem>>)
      } else {
      }
    }
    %while3A_20 = arith.constant 0 : i32
    %while3A_21 = arith.constant 0 : i32
    %while3A_22 = arith.subi %add3A_8, %while3A_21 : i32
    %while3A_23 = arith.addi %while3A_21, %while3A_22 : i32
    %while3A_24 = arith.constant 1 : i32
    %while3A_25 = arith.divsi %while3A_22, %while3A_24 : i32
    %while3A_26 = arith.muli %while3A_25, %while3A_24 : i32
    %while3A_27 = arith.addi %while3A_21, %while3A_26 : i32
    %while3A_28 = arith.constant 1 : i32
    scf.for %while3A_142 = %while3A_21 to %while3A_27 step %while3A_28  : i32 {
      %add3A_143 = arith.addi %add3A_4, %while3A_142 : i32
      %lt3A_144 = arith.constant 781 : i32
      %lt3A_145 = arith.cmpi slt, %add3A_143, %lt3A_144 : i32
      %convert_element_type3A_146 = arith.extui %lt3A_145 : i1 to i32
      %cond3A_147 = arith.constant 0 : i32
      %cond3A_148 = arith.cmpi ne, %convert_element_type3A_146, %cond3A_147 : i32
      scf.if %cond3A_148 {
        %mul3A_154 = arith.constant 128 : i32
        %mul3A_155 = arith.muli %add3A_143, %mul3A_154 : i32
        %multiple_of3A_156 = tpu.assume_multiple %mul3A_155, 8 : i32
        %dma_wait3A = arith.constant 0 : i32
        %dma_wait3A_157 = tpu.memref_slice %arg7[%while3A_142, %dma_wait3A] : memref<25x128xi32, #tpu.memory_space<vmem>> -> memref<1x128xi32, #tpu.memory_space<vmem>>
        %dma_wait3A_158 = tpu.memref_squeeze %dma_wait3A_157 : memref<1x128xi32, #tpu.memory_space<vmem>> -> memref<128xi32, #tpu.memory_space<vmem>>
        %dma_wait3A_159 = tpu.memref_slice %arg2[%multiple_of3A_156] : memref<100000xi32, #tpu.memory_space<hbm>> -> memref<128xi32, #tpu.memory_space<hbm>>
        %dma_wait3A_160 = arith.constant 0 : i32
        %dma_wait3A_161 = tpu.memref_slice %arg7[%while3A_142, %dma_wait3A_160] : memref<25x128xi32, #tpu.memory_space<vmem>> -> memref<1x128xi32, #tpu.memory_space<vmem>>
        %dma_wait3A_162 = tpu.memref_squeeze %dma_wait3A_161 : memref<1x128xi32, #tpu.memory_space<vmem>> -> memref<128xi32, #tpu.memory_space<vmem>>
        %dma_wait3A_163 = tpu.memref_slice %arg2[%multiple_of3A_156] : memref<100000xi32, #tpu.memory_space<hbm>> -> memref<128xi32, #tpu.memory_space<hbm>>
        tpu.wait_dma2 semaphore(%arg14 : memref<!tpu.dma_semaphore, #tpu.memory_space<semaphore_mem>>) src(%dma_wait3A_163 : memref<128xi32, #tpu.memory_space<hbm>>) dst(%dma_wait3A_162 : memref<128xi32, #tpu.memory_space<vmem>>)
      } else {
      }
      %eq3A_149 = arith.constant 781 : i32
      %eq3A_150 = arith.cmpi eq, %add3A_143, %eq3A_149 : i32
      %convert_element_type3A_151 = arith.extui %eq3A_150 : i1 to i32
      %cond3A_152 = arith.constant 0 : i32
      %cond3A_153 = arith.cmpi ne, %convert_element_type3A_151, %cond3A_152 : i32
      scf.if %cond3A_153 {
        %dma_wait3A = arith.constant 0 : i32
        %dma_wait3A_154 = tpu.memref_slice %arg7[%while3A_142, %dma_wait3A] : memref<25x128xi32, #tpu.memory_space<vmem>> -> memref<1x128xi32, #tpu.memory_space<vmem>>
        %dma_wait3A_155 = tpu.memref_squeeze %dma_wait3A_154 : memref<1x128xi32, #tpu.memory_space<vmem>> -> memref<128xi32, #tpu.memory_space<vmem>>
        %dma_wait3A_156 = arith.constant 96 : i32
        %dma_wait3A_157 = tpu.memref_slice %dma_wait3A_155[%dma_wait3A_156] : memref<128xi32, #tpu.memory_space<vmem>> -> memref<32xi32, #tpu.memory_space<vmem>>
        %dma_wait3A_158 = arith.constant 99968 : i32
        %dma_wait3A_159 = tpu.memref_slice %arg2[%dma_wait3A_158] : memref<100000xi32, #tpu.memory_space<hbm>> -> memref<32xi32, #tpu.memory_space<hbm>>
        %dma_wait3A_160 = arith.constant 0 : i32
        %dma_wait3A_161 = tpu.memref_slice %arg7[%while3A_142, %dma_wait3A_160] : memref<25x128xi32, #tpu.memory_space<vmem>> -> memref<1x128xi32, #tpu.memory_space<vmem>>
        %dma_wait3A_162 = tpu.memref_squeeze %dma_wait3A_161 : memref<1x128xi32, #tpu.memory_space<vmem>> -> memref<128xi32, #tpu.memory_space<vmem>>
        %dma_wait3A_163 = arith.constant 96 : i32
        %dma_wait3A_164 = tpu.memref_slice %dma_wait3A_162[%dma_wait3A_163] : memref<128xi32, #tpu.memory_space<vmem>> -> memref<32xi32, #tpu.memory_space<vmem>>
        %dma_wait3A_165 = arith.constant 99968 : i32
        %dma_wait3A_166 = tpu.memref_slice %arg2[%dma_wait3A_165] : memref<100000xi32, #tpu.memory_space<hbm>> -> memref<32xi32, #tpu.memory_space<hbm>>
        tpu.wait_dma2 semaphore(%arg14 : memref<!tpu.dma_semaphore, #tpu.memory_space<semaphore_mem>>) src(%dma_wait3A_166 : memref<32xi32, #tpu.memory_space<hbm>>) dst(%dma_wait3A_164 : memref<32xi32, #tpu.memory_space<vmem>>)
      } else {
      }
    }
    %while3A_29 = arith.constant 1 : i32
    scf.for %while3A_142 = %while3A_27 to %while3A_23 step %while3A_29  : i32 {
      %add3A_143 = arith.addi %add3A_4, %while3A_142 : i32
      %lt3A_144 = arith.constant 781 : i32
      %lt3A_145 = arith.cmpi slt, %add3A_143, %lt3A_144 : i32
      %convert_element_type3A_146 = arith.extui %lt3A_145 : i1 to i32
      %cond3A_147 = arith.constant 0 : i32
      %cond3A_148 = arith.cmpi ne, %convert_element_type3A_146, %cond3A_147 : i32
      scf.if %cond3A_148 {
        %mul3A_154 = arith.constant 128 : i32
        %mul3A_155 = arith.muli %add3A_143, %mul3A_154 : i32
        %multiple_of3A_156 = tpu.assume_multiple %mul3A_155, 8 : i32
        %dma_wait3A = arith.constant 0 : i32
        %dma_wait3A_157 = tpu.memref_slice %arg7[%while3A_142, %dma_wait3A] : memref<25x128xi32, #tpu.memory_space<vmem>> -> memref<1x128xi32, #tpu.memory_space<vmem>>
        %dma_wait3A_158 = tpu.memref_squeeze %dma_wait3A_157 : memref<1x128xi32, #tpu.memory_space<vmem>> -> memref<128xi32, #tpu.memory_space<vmem>>
        %dma_wait3A_159 = tpu.memref_slice %arg2[%multiple_of3A_156] : memref<100000xi32, #tpu.memory_space<hbm>> -> memref<128xi32, #tpu.memory_space<hbm>>
        %dma_wait3A_160 = arith.constant 0 : i32
        %dma_wait3A_161 = tpu.memref_slice %arg7[%while3A_142, %dma_wait3A_160] : memref<25x128xi32, #tpu.memory_space<vmem>> -> memref<1x128xi32, #tpu.memory_space<vmem>>
        %dma_wait3A_162 = tpu.memref_squeeze %dma_wait3A_161 : memref<1x128xi32, #tpu.memory_space<vmem>> -> memref<128xi32, #tpu.memory_space<vmem>>
        %dma_wait3A_163 = tpu.memref_slice %arg2[%multiple_of3A_156] : memref<100000xi32, #tpu.memory_space<hbm>> -> memref<128xi32, #tpu.memory_space<hbm>>
        tpu.wait_dma2 semaphore(%arg14 : memref<!tpu.dma_semaphore, #tpu.memory_space<semaphore_mem>>) src(%dma_wait3A_163 : memref<128xi32, #tpu.memory_space<hbm>>) dst(%dma_wait3A_162 : memref<128xi32, #tpu.memory_space<vmem>>)
      } else {
      }
      %eq3A_149 = arith.constant 781 : i32
      %eq3A_150 = arith.cmpi eq, %add3A_143, %eq3A_149 : i32
      %convert_element_type3A_151 = arith.extui %eq3A_150 : i1 to i32
      %cond3A_152 = arith.constant 0 : i32
      %cond3A_153 = arith.cmpi ne, %convert_element_type3A_151, %cond3A_152 : i32
      scf.if %cond3A_153 {
        %dma_wait3A = arith.constant 0 : i32
        %dma_wait3A_154 = tpu.memref_slice %arg7[%while3A_142, %dma_wait3A] : memref<25x128xi32, #tpu.memory_space<vmem>> -> memref<1x128xi32, #tpu.memory_space<vmem>>
        %dma_wait3A_155 = tpu.memref_squeeze %dma_wait3A_154 : memref<1x128xi32, #tpu.memory_space<vmem>> -> memref<128xi32, #tpu.memory_space<vmem>>
        %dma_wait3A_156 = arith.constant 96 : i32
        %dma_wait3A_157 = tpu.memref_slice %dma_wait3A_155[%dma_wait3A_156] : memref<128xi32, #tpu.memory_space<vmem>> -> memref<32xi32, #tpu.memory_space<vmem>>
        %dma_wait3A_158 = arith.constant 99968 : i32
        %dma_wait3A_159 = tpu.memref_slice %arg2[%dma_wait3A_158] : memref<100000xi32, #tpu.memory_space<hbm>> -> memref<32xi32, #tpu.memory_space<hbm>>
        %dma_wait3A_160 = arith.constant 0 : i32
        %dma_wait3A_161 = tpu.memref_slice %arg7[%while3A_142, %dma_wait3A_160] : memref<25x128xi32, #tpu.memory_space<vmem>> -> memref<1x128xi32, #tpu.memory_space<vmem>>
        %dma_wait3A_162 = tpu.memref_squeeze %dma_wait3A_161 : memref<1x128xi32, #tpu.memory_space<vmem>> -> memref<128xi32, #tpu.memory_space<vmem>>
        %dma_wait3A_163 = arith.constant 96 : i32
        %dma_wait3A_164 = tpu.memref_slice %dma_wait3A_162[%dma_wait3A_163] : memref<128xi32, #tpu.memory_space<vmem>> -> memref<32xi32, #tpu.memory_space<vmem>>
        %dma_wait3A_165 = arith.constant 99968 : i32
        %dma_wait3A_166 = tpu.memref_slice %arg2[%dma_wait3A_165] : memref<100000xi32, #tpu.memory_space<hbm>> -> memref<32xi32, #tpu.memory_space<hbm>>
        tpu.wait_dma2 semaphore(%arg14 : memref<!tpu.dma_semaphore, #tpu.memory_space<semaphore_mem>>) src(%dma_wait3A_166 : memref<32xi32, #tpu.memory_space<hbm>>) dst(%dma_wait3A_164 : memref<32xi32, #tpu.memory_space<vmem>>)
      } else {
      }
    }
    %iota3A = tpu.iota {dimensions = array<i32: 0>} : vector<16xi32>
    %broadcast_in_dim3A = arith.constant 0.000000e+00 : f32
    %broadcast_in_dim3A_30 = vector.broadcast %broadcast_in_dim3A : f32 to vector<16xf32>
    %get3A = arith.constant 0 : i32
    %get3A_31 = arith.index_cast %get3A : i32 to index
    %get3A_32 = arith.constant 0 : index
    %get3A_33 = tpu.vector_load %arg7[%get3A_31, %get3A_32] {strides = array<i32>} : memref<25x128xi32, #tpu.memory_space<vmem>>, vector<16xi32>,
    %reduce_min3A = arith.constant true
    %reduce_min3A_34 = vector.broadcast %reduce_min3A : i1 to vector<16xi1>
    %reduce_min3A_35 = arith.constant -2147483648 : i32
    %reduce_min3A_36 = vector.broadcast %reduce_min3A_35 : i32 to vector<16xi32>
    %reduce_min3A_37 = arith.xori %get3A_33, %reduce_min3A_36 : vector<16xi32>
    %reduce_min3A_38 = tpu.scan <min>, %reduce_min3A_37 masked %reduce_min3A_34 : vector<16xi32>, vector<16xi1> -> vector<16xi32>
    %reduce_min3A_39 = arith.xori %reduce_min3A_38, %reduce_min3A_36 : vector<16xi32>
    %reduce_min3A_40 = vector.extract %reduce_min3A_39[15] : i32 from vector<16xi32>
    %sub3A = arith.constant 1 : i32
    %sub3A_41 = arith.subi %add3A_8, %sub3A : i32
    %get3A_42 = arith.index_cast %sub3A_41 : i32 to index
    %get3A_43 = arith.constant 112 : index
    %get3A_44 = tpu.vector_load %arg7[%get3A_42, %get3A_43] {strides = array<i32>} : memref<25x128xi32, #tpu.memory_space<vmem>>, vector<16xi32>,
    %reduce_max3A = arith.constant true
    %reduce_max3A_45 = vector.broadcast %reduce_max3A : i1 to vector<16xi1>
    %reduce_max3A_46 = arith.constant -2147483648 : i32
    %reduce_max3A_47 = vector.broadcast %reduce_max3A_46 : i32 to vector<16xi32>
    %reduce_max3A_48 = arith.xori %get3A_44, %reduce_max3A_47 : vector<16xi32>
    %reduce_max3A_49 = tpu.scan <max>, %reduce_max3A_48 masked %reduce_max3A_45 : vector<16xi32>, vector<16xi1> -> vector<16xi32>
    %reduce_max3A_50 = arith.xori %reduce_max3A_49, %reduce_max3A_47 : vector<16xi32>
    %reduce_max3A_51 = vector.extract %reduce_max3A_50[15] : i32 from vector<16xi32>
    %sub3A_52 = arith.subi %reduce_max3A_51, %reduce_min3A_40 : i32
    %ge3A = arith.constant 64 : i32
    %ge3A_53 = arith.cmpi sge, %sub3A_52, %ge3A : i32
    %scan3A = arith.constant 0 : i32
    %scan3A_54 = arith.constant 0 : i32
    %scan3A_55 = arith.constant 64 : i32
    %scan3A_56 = arith.addi %scan3A_54, %scan3A_55 : i32
    %scan3A_57 = arith.constant 1 : i32
    scf.for %scan3A_142 = %scan3A_54 to %scan3A_56 step %scan3A_57  : i32 {
      %swap3A_143 = arith.index_cast %scan3A_142 : i32 to index
      %swap3A_144 = arith.constant 0 : index
      %swap3A_145 = tpu.vector_load %arg11[%swap3A_143, %swap3A_144] {strides = array<i32>} : memref<64x128xf32, #tpu.memory_space<vmem>>, vector<16xf32>,
      tpu.vector_store %arg11[%swap3A_143, %swap3A_144], %broadcast_in_dim3A_30 {strides = array<i32>} : memref<64x128xf32, #tpu.memory_space<vmem>>, vector<16xf32>,
      %swap3A_146 = arith.index_cast %scan3A_142 : i32 to index
      %swap3A_147 = arith.constant 16 : index
      %swap3A_148 = tpu.vector_load %arg11[%swap3A_146, %swap3A_147] {strides = array<i32>} : memref<64x128xf32, #tpu.memory_space<vmem>>, vector<16xf32>,
      tpu.vector_store %arg11[%swap3A_146, %swap3A_147], %broadcast_in_dim3A_30 {strides = array<i32>} : memref<64x128xf32, #tpu.memory_space<vmem>>, vector<16xf32>,
      %swap3A_149 = arith.index_cast %scan3A_142 : i32 to index
      %swap3A_150 = arith.constant 32 : index
      %swap3A_151 = tpu.vector_load %arg11[%swap3A_149, %swap3A_150] {strides = array<i32>} : memref<64x128xf32, #tpu.memory_space<vmem>>, vector<16xf32>,
      tpu.vector_store %arg11[%swap3A_149, %swap3A_150], %broadcast_in_dim3A_30 {strides = array<i32>} : memref<64x128xf32, #tpu.memory_space<vmem>>, vector<16xf32>,
      %swap3A_152 = arith.index_cast %scan3A_142 : i32 to index
      %swap3A_153 = arith.constant 48 : index
      %swap3A_154 = tpu.vector_load %arg11[%swap3A_152, %swap3A_153] {strides = array<i32>} : memref<64x128xf32, #tpu.memory_space<vmem>>, vector<16xf32>,
      tpu.vector_store %arg11[%swap3A_152, %swap3A_153], %broadcast_in_dim3A_30 {strides = array<i32>} : memref<64x128xf32, #tpu.memory_space<vmem>>, vector<16xf32>,
      %swap3A_155 = arith.index_cast %scan3A_142 : i32 to index
      %swap3A_156 = arith.constant 64 : index
      %swap3A_157 = tpu.vector_load %arg11[%swap3A_155, %swap3A_156] {strides = array<i32>} : memref<64x128xf32, #tpu.memory_space<vmem>>, vector<16xf32>,
      tpu.vector_store %arg11[%swap3A_155, %swap3A_156], %broadcast_in_dim3A_30 {strides = array<i32>} : memref<64x128xf32, #tpu.memory_space<vmem>>, vector<16xf32>,
      %swap3A_158 = arith.index_cast %scan3A_142 : i32 to index
      %swap3A_159 = arith.constant 80 : index
      %swap3A_160 = tpu.vector_load %arg11[%swap3A_158, %swap3A_159] {strides = array<i32>} : memref<64x128xf32, #tpu.memory_space<vmem>>, vector<16xf32>,
      tpu.vector_store %arg11[%swap3A_158, %swap3A_159], %broadcast_in_dim3A_30 {strides = array<i32>} : memref<64x128xf32, #tpu.memory_space<vmem>>, vector<16xf32>,
      %swap3A_161 = arith.index_cast %scan3A_142 : i32 to index
      %swap3A_162 = arith.constant 96 : index
      %swap3A_163 = tpu.vector_load %arg11[%swap3A_161, %swap3A_162] {strides = array<i32>} : memref<64x128xf32, #tpu.memory_space<vmem>>, vector<16xf32>,
      tpu.vector_store %arg11[%swap3A_161, %swap3A_162], %broadcast_in_dim3A_30 {strides = array<i32>} : memref<64x128xf32, #tpu.memory_space<vmem>>, vector<16xf32>,
      %swap3A_164 = arith.index_cast %scan3A_142 : i32 to index
      %swap3A_165 = arith.constant 112 : index
      %swap3A_166 = tpu.vector_load %arg11[%swap3A_164, %swap3A_165] {strides = array<i32>} : memref<64x128xf32, #tpu.memory_space<vmem>>, vector<16xf32>,
      tpu.vector_store %arg11[%swap3A_164, %swap3A_165], %broadcast_in_dim3A_30 {strides = array<i32>} : memref<64x128xf32, #tpu.memory_space<vmem>>, vector<16xf32>,
    }
    %scan3A_58 = arith.constant 64 : i32
    %broadcast_in_dim3A_59 = vector.broadcast %reduce_min3A_40 : i32 to vector<16xi32>
    %add3A_60 = arith.addi %broadcast_in_dim3A_59, %iota3A : vector<16xi32>
    %add3A_61 = arith.constant 0 : i32
    %add3A_62 = vector.broadcast %add3A_61 : i32 to vector<16xi32>
    %add3A_63 = arith.addi %add3A_60, %add3A_62 : vector<16xi32>
    %swap3A = arith.constant 0 : i32
    %swap3A_64 = arith.index_cast %swap3A : i32 to index
    %swap3A_65 = arith.constant 0 : index
    %swap3A_66 = tpu.vector_load %arg12[%swap3A_64, %swap3A_65] {strides = array<i32>} : memref<8x64xi32, #tpu.memory_space<vmem>>, vector<16xi32>,
    tpu.vector_store %arg12[%swap3A_64, %swap3A_65], %add3A_63 {strides = array<i32>} : memref<8x64xi32, #tpu.memory_space<vmem>>, vector<16xi32>,
    %add3A_67 = arith.addi %broadcast_in_dim3A_59, %iota3A : vector<16xi32>
    %add3A_68 = arith.constant 16 : i32
    %add3A_69 = vector.broadcast %add3A_68 : i32 to vector<16xi32>
    %add3A_70 = arith.addi %add3A_67, %add3A_69 : vector<16xi32>
    %swap3A_71 = arith.constant 0 : i32
    %swap3A_72 = arith.index_cast %swap3A_71 : i32 to index
    %swap3A_73 = arith.constant 16 : index
    %swap3A_74 = tpu.vector_load %arg12[%swap3A_72, %swap3A_73] {strides = array<i32>} : memref<8x64xi32, #tpu.memory_space<vmem>>, vector<16xi32>,
    tpu.vector_store %arg12[%swap3A_72, %swap3A_73], %add3A_70 {strides = array<i32>} : memref<8x64xi32, #tpu.memory_space<vmem>>, vector<16xi32>,
    %add3A_75 = arith.addi %broadcast_in_dim3A_59, %iota3A : vector<16xi32>
    %add3A_76 = arith.constant 32 : i32
    %add3A_77 = vector.broadcast %add3A_76 : i32 to vector<16xi32>
    %add3A_78 = arith.addi %add3A_75, %add3A_77 : vector<16xi32>
    %swap3A_79 = arith.constant 0 : i32
    %swap3A_80 = arith.index_cast %swap3A_79 : i32 to index
    %swap3A_81 = arith.constant 32 : index
    %swap3A_82 = tpu.vector_load %arg12[%swap3A_80, %swap3A_81] {strides = array<i32>} : memref<8x64xi32, #tpu.memory_space<vmem>>, vector<16xi32>,
    tpu.vector_store %arg12[%swap3A_80, %swap3A_81], %add3A_78 {strides = array<i32>} : memref<8x64xi32, #tpu.memory_space<vmem>>, vector<16xi32>,
    %add3A_83 = arith.addi %broadcast_in_dim3A_59, %iota3A : vector<16xi32>
    %add3A_84 = arith.constant 48 : i32
    %add3A_85 = vector.broadcast %add3A_84 : i32 to vector<16xi32>
    %add3A_86 = arith.addi %add3A_83, %add3A_85 : vector<16xi32>
    %swap3A_87 = arith.constant 0 : i32
    %swap3A_88 = arith.index_cast %swap3A_87 : i32 to index
    %swap3A_89 = arith.constant 48 : index
    %swap3A_90 = tpu.vector_load %arg12[%swap3A_88, %swap3A_89] {strides = array<i32>} : memref<8x64xi32, #tpu.memory_space<vmem>>, vector<16xi32>,
    tpu.vector_store %arg12[%swap3A_88, %swap3A_89], %add3A_86 {strides = array<i32>} : memref<8x64xi32, #tpu.memory_space<vmem>>, vector<16xi32>,
    %barrier3A = arith.constant 0 : index
    tpu.barrier barrier_id(%barrier3A)
    %add3A_91 = arith.constant 0 : i32
    %add3A_92 = arith.addi %add3A_4, %add3A_91 : i32
    %eq3A = arith.constant 781 : i32
    %eq3A_93 = arith.cmpi eq, %add3A_92, %eq3A : i32
    %mul3A_94 = arith.constant 128 : i32
    %mul3A_95 = arith.muli %add3A_92, %mul3A_94 : i32
    %jit3A_96 = arith.constant 99872 : i32
    %select_n3A_97 = arith.select %eq3A_93, %jit3A_96, %mul3A_95 : i32
    %multiple_of3A_98 = tpu.assume_multiple %select_n3A_97, 8 : i32
    %dma_start3A = arith.constant 0 : i32
    %dma_start3A_99 = arith.constant 0 : i32
    %dma_start3A_100 = arith.constant 0 : i32
    %dma_start3A_101 = arith.constant 0 : i32
    %dma_start3A_102 = tpu.memref_slice %arg8[%dma_start3A, %dma_start3A_100, %dma_start3A_101] : memref<2x128x128xf32, #tpu.memory_space<vmem>> -> memref<1x128x128xf32, #tpu.memory_space<vmem>>
    %dma_start3A_103 = tpu.memref_squeeze %dma_start3A_102 : memref<1x128x128xf32, #tpu.memory_space<vmem>> -> memref<128x128xf32, #tpu.memory_space<vmem>>
    %dma_start3A_104 = arith.constant 0 : i32
    %dma_start3A_105 = tpu.memref_slice %arg3[%multiple_of3A_98, %dma_start3A_104] : memref<100000x128xf32, #tpu.memory_space<hbm>> -> memref<128x128xf32, #tpu.memory_space<hbm>>
    %dma_start3A_106 = tpu.memref_slice %arg13[%dma_start3A_99] : memref<2x!tpu.dma_semaphore, #tpu.memory_space<semaphore_mem>> -> memref<1x!tpu.dma_semaphore, #tpu.memory_space<semaphore_mem>>
    %dma_start3A_107 = tpu.memref_squeeze %dma_start3A_106 : memref<1x!tpu.dma_semaphore, #tpu.memory_space<semaphore_mem>> -> memref<!tpu.dma_semaphore, #tpu.memory_space<semaphore_mem>>
    %dma_start3A_108 = arith.constant 0 : i32
    %dma_start3A_109 = arith.constant 0 : i32
    %dma_start3A_110 = tpu.memref_slice %arg8[%dma_start3A, %dma_start3A_108, %dma_start3A_109] : memref<2x128x128xf32, #tpu.memory_space<vmem>> -> memref<1x128x128xf32, #tpu.memory_space<vmem>>
    %dma_start3A_111 = tpu.memref_squeeze %dma_start3A_110 : memref<1x128x128xf32, #tpu.memory_space<vmem>> -> memref<128x128xf32, #tpu.memory_space<vmem>>
    %dma_start3A_112 = arith.constant 0 : i32
    %dma_start3A_113 = tpu.memref_slice %arg3[%multiple_of3A_98, %dma_start3A_112] : memref<100000x128xf32, #tpu.memory_space<hbm>> -> memref<128x128xf32, #tpu.memory_space<hbm>>
    tpu.enqueue_dma source(%dma_start3A_113 : memref<128x128xf32, #tpu.memory_space<hbm>>) target(%dma_start3A_111 : memref<128x128xf32, #tpu.memory_space<vmem>>) target_semaphore(%dma_start3A_107 : memref<!tpu.dma_semaphore, #tpu.memory_space<semaphore_mem>>)
    %while3A_114 = arith.constant 0 : i32
    %while3A_115 = arith.constant 0 : i32
    %while3A_116 = arith.constant 0 : i32
    %while3A_117 = arith.subi %add3A_8, %while3A_114 : i32
    %while3A_118 = arith.addi %while3A_114, %while3A_117 : i32
    %while3A_119 = arith.constant 1 : i32
    %while3A_120 = arith.divsi %while3A_117, %while3A_119 : i32
    %while3A_121 = arith.muli %while3A_120, %while3A_119 : i32
    %while3A_122 = arith.addi %while3A_114, %while3A_121 : i32
    %while3A_123 = arith.constant 1 : i32
    %while3A_124:2 = scf.for %while3A_142 = %while3A_114 to %while3A_122 step %while3A_123 iter_args(%while3A_143 = %while3A_115, %while3A_144 = %while3A_116) -> (i32, i32)  : i32 {
      %rem3A = arith.constant 2 : i32
      %rem3A_145 = arith.remsi %while3A_142, %rem3A : i32
      %add3A_146 = arith.addi %add3A_4, %while3A_142 : i32
      %eq3A_147 = arith.constant 0 : i32
      %eq3A_148 = arith.cmpi eq, %rem3A_145, %eq3A_147 : i32
      %select_n3A_149 = arith.select %eq3A_148, %while3A_144, %while3A_143 : i32
      %gt3A_150 = arith.constant 0 : i32
      %gt3A_151 = arith.cmpi sgt, %select_n3A_149, %gt3A_150 : i32
      %convert_element_type3A_152 = arith.extui %gt3A_151 : i1 to i32
      %cond3A_153 = arith.constant 0 : i32
      %cond3A_154 = arith.cmpi ne, %convert_element_type3A_152, %cond3A_153 : i32
      scf.if %cond3A_154 {
        %sub3A_223 = arith.constant 1 : i32
        %sub3A_224 = arith.subi %select_n3A_149, %sub3A_223 : i32
        %sub3A_225 = arith.constant 1 : i32
        %sub3A_226 = arith.subi %sub3A_225, %rem3A_145 : i32
        %dma_wait3A_227 = arith.constant 0 : i32
        %dma_wait3A_228 = arith.constant 0 : i32
        %dma_wait3A_229 = tpu.memref_slice %arg8[%sub3A_226, %dma_wait3A_227, %dma_wait3A_228] : memref<2x128x128xf32, #tpu.memory_space<vmem>> -> memref<1x128x128xf32, #tpu.memory_space<vmem>>
        %dma_wait3A_230 = tpu.memref_squeeze %dma_wait3A_229 : memref<1x128x128xf32, #tpu.memory_space<vmem>> -> memref<128x128xf32, #tpu.memory_space<vmem>>
        %dma_wait3A_231 = arith.constant 0 : i32
        %dma_wait3A_232 = tpu.memref_slice %arg7[%sub3A_224, %dma_wait3A_231] : memref<25x128xi32, #tpu.memory_space<vmem>> -> memref<1x128xi32, #tpu.memory_space<vmem>>
        %dma_wait3A_233 = tpu.memref_squeeze %dma_wait3A_232 : memref<1x128xi32, #tpu.memory_space<vmem>> -> memref<128xi32, #tpu.memory_space<vmem>>
        %dma_wait3A_234 = arith.constant 0 : i32
        %dma_wait3A_235 = arith.constant 0 : i32
        %dma_wait3A_236 = tpu.memref_slice %arg10[%dma_wait3A_234, %dma_wait3A_235] : memref<640x128xf32, #tpu.memory_space<vmem_shared>> -> memref<640x128xf32, #tpu.memory_space<vmem_shared>>
        %dma_wait3A_237 = tpu.memref_slice %arg15[%sub3A_226] : memref<2x!tpu.dma_semaphore, #tpu.memory_space<semaphore_mem>> -> memref<1x!tpu.dma_semaphore, #tpu.memory_space<semaphore_mem>>
        %dma_wait3A_238 = tpu.memref_squeeze %dma_wait3A_237 : memref<1x!tpu.dma_semaphore, #tpu.memory_space<semaphore_mem>> -> memref<!tpu.dma_semaphore, #tpu.memory_space<semaphore_mem>>
        tpu.wait_indirect_dma semaphore(%dma_wait3A_238 : memref<!tpu.dma_semaphore, #tpu.memory_space<semaphore_mem>>) src(%dma_wait3A_230 : memref<128x128xf32, #tpu.memory_space<vmem>>) dst(%dma_wait3A_236 : memref<640x128xf32, #tpu.memory_space<vmem_shared>>)
      } else {
      }
      %add3A_155 = arith.constant 1 : i32
      %add3A_156 = arith.addi %while3A_142, %add3A_155 : i32
      %lt3A_157 = arith.cmpi slt, %add3A_156, %add3A_8 : i32
      %convert_element_type3A_158 = arith.extui %lt3A_157 : i1 to i32
      %cond3A_159 = arith.constant 0 : i32
      %cond3A_160 = arith.cmpi ne, %convert_element_type3A_158, %cond3A_159 : i32
      scf.if %cond3A_160 {
        %add3A_223 = arith.constant 1 : i32
        %add3A_224 = arith.addi %while3A_142, %add3A_223 : i32
        %sub3A_225 = arith.constant 1 : i32
        %sub3A_226 = arith.subi %sub3A_225, %rem3A_145 : i32
        %add3A_227 = arith.addi %add3A_4, %add3A_224 : i32
        %eq3A_228 = arith.constant 781 : i32
        %eq3A_229 = arith.cmpi eq, %add3A_227, %eq3A_228 : i32
        %mul3A_230 = arith.constant 128 : i32
        %mul3A_231 = arith.muli %add3A_227, %mul3A_230 : i32
        %jit3A_232 = arith.constant 99872 : i32
        %select_n3A_233 = arith.select %eq3A_229, %jit3A_232, %mul3A_231 : i32
        %multiple_of3A_234 = tpu.assume_multiple %select_n3A_233, 8 : i32
        %dma_start3A_235 = arith.constant 0 : i32
        %dma_start3A_236 = arith.constant 0 : i32
        %dma_start3A_237 = tpu.memref_slice %arg8[%sub3A_226, %dma_start3A_235, %dma_start3A_236] : memref<2x128x128xf32, #tpu.memory_space<vmem>> -> memref<1x128x128xf32, #tpu.memory_space<vmem>>
        %dma_start3A_238 = tpu.memref_squeeze %dma_start3A_237 : memref<1x128x128xf32, #tpu.memory_space<vmem>> -> memref<128x128xf32, #tpu.memory_space<vmem>>
        %dma_start3A_239 = arith.constant 0 : i32
        %dma_start3A_240 = tpu.memref_slice %arg3[%multiple_of3A_234, %dma_start3A_239] : memref<100000x128xf32, #tpu.memory_space<hbm>> -> memref<128x128xf32, #tpu.memory_space<hbm>>
        %dma_start3A_241 = tpu.memref_slice %arg13[%sub3A_226] : memref<2x!tpu.dma_semaphore, #tpu.memory_space<semaphore_mem>> -> memref<1x!tpu.dma_semaphore, #tpu.memory_space<semaphore_mem>>
        %dma_start3A_242 = tpu.memref_squeeze %dma_start3A_241 : memref<1x!tpu.dma_semaphore, #tpu.memory_space<semaphore_mem>> -> memref<!tpu.dma_semaphore, #tpu.memory_space<semaphore_mem>>
        %dma_start3A_243 = arith.constant 0 : i32
        %dma_start3A_244 = arith.constant 0 : i32
        %dma_start3A_245 = tpu.memref_slice %arg8[%sub3A_226, %dma_start3A_243, %dma_start3A_244] : memref<2x128x128xf32, #tpu.memory_space<vmem>> -> memref<1x128x128xf32, #tpu.memory_space<vmem>>
        %dma_start3A_246 = tpu.memref_squeeze %dma_start3A_245 : memref<1x128x128xf32, #tpu.memory_space<vmem>> -> memref<128x128xf32, #tpu.memory_space<vmem>>
        %dma_start3A_247 = arith.constant 0 : i32
        %dma_start3A_248 = tpu.memref_slice %arg3[%multiple_of3A_234, %dma_start3A_247] : memref<100000x128xf32, #tpu.memory_space<hbm>> -> memref<128x128xf32, #tpu.memory_space<hbm>>
        tpu.enqueue_dma source(%dma_start3A_248 : memref<128x128xf32, #tpu.memory_space<hbm>>) target(%dma_start3A_246 : memref<128x128xf32, #tpu.memory_space<vmem>>) target_semaphore(%dma_start3A_242 : memref<!tpu.dma_semaphore, #tpu.memory_space<semaphore_mem>>)
      } else {
      }
      %eq3A_161 = arith.constant 781 : i32
      %eq3A_162 = arith.cmpi eq, %add3A_146, %eq3A_161 : i32
      %mul3A_163 = arith.constant 128 : i32
      %mul3A_164 = arith.muli %add3A_146, %mul3A_163 : i32
      %jit3A_165 = arith.constant 99872 : i32
      %select_n3A_166 = arith.select %eq3A_162, %jit3A_165, %mul3A_164 : i32
      %multiple_of3A_167 = tpu.assume_multiple %select_n3A_166, 8 : i32
      %dma_wait3A = arith.constant 0 : i32
      %dma_wait3A_168 = arith.constant 0 : i32
      %dma_wait3A_169 = tpu.memref_slice %arg8[%rem3A_145, %dma_wait3A, %dma_wait3A_168] : memref<2x128x128xf32, #tpu.memory_space<vmem>> -> memref<1x128x128xf32, #tpu.memory_space<vmem>>
      %dma_wait3A_170 = tpu.memref_squeeze %dma_wait3A_169 : memref<1x128x128xf32, #tpu.memory_space<vmem>> -> memref<128x128xf32, #tpu.memory_space<vmem>>
      %dma_wait3A_171 = arith.constant 0 : i32
      %dma_wait3A_172 = tpu.memref_slice %arg3[%multiple_of3A_167, %dma_wait3A_171] : memref<100000x128xf32, #tpu.memory_space<hbm>> -> memref<128x128xf32, #tpu.memory_space<hbm>>
      %dma_wait3A_173 = tpu.memref_slice %arg13[%rem3A_145] : memref<2x!tpu.dma_semaphore, #tpu.memory_space<semaphore_mem>> -> memref<1x!tpu.dma_semaphore, #tpu.memory_space<semaphore_mem>>
      %dma_wait3A_174 = tpu.memref_squeeze %dma_wait3A_173 : memref<1x!tpu.dma_semaphore, #tpu.memory_space<semaphore_mem>> -> memref<!tpu.dma_semaphore, #tpu.memory_space<semaphore_mem>>
      %dma_wait3A_175 = arith.constant 0 : i32
      %dma_wait3A_176 = arith.constant 0 : i32
      %dma_wait3A_177 = tpu.memref_slice %arg8[%rem3A_145, %dma_wait3A_175, %dma_wait3A_176] : memref<2x128x128xf32, #tpu.memory_space<vmem>> -> memref<1x128x128xf32, #tpu.memory_space<vmem>>
      %dma_wait3A_178 = tpu.memref_squeeze %dma_wait3A_177 : memref<1x128x128xf32, #tpu.memory_space<vmem>> -> memref<128x128xf32, #tpu.memory_space<vmem>>
      %dma_wait3A_179 = arith.constant 0 : i32
      %dma_wait3A_180 = tpu.memref_slice %arg3[%multiple_of3A_167, %dma_wait3A_179] : memref<100000x128xf32, #tpu.memory_space<hbm>> -> memref<128x128xf32, #tpu.memory_space<hbm>>
      tpu.wait_dma2 semaphore(%dma_wait3A_174 : memref<!tpu.dma_semaphore, #tpu.memory_space<semaphore_mem>>) src(%dma_wait3A_180 : memref<128x128xf32, #tpu.memory_space<hbm>>) dst(%dma_wait3A_178 : memref<128x128xf32, #tpu.memory_space<vmem>>)
      %get3A_181 = arith.index_cast %while3A_142 : i32 to index
      %get3A_182 = arith.constant 0 : index
      %get3A_183 = tpu.vector_load %arg7[%get3A_181, %get3A_182] {strides = array<i32>} : memref<25x128xi32, #tpu.memory_space<vmem>>, vector<16xi32>,
      %reduce_min3A_184 = arith.constant true
      %reduce_min3A_185 = vector.broadcast %reduce_min3A_184 : i1 to vector<16xi1>
      %reduce_min3A_186 = arith.constant -2147483648 : i32
      %reduce_min3A_187 = vector.broadcast %reduce_min3A_186 : i32 to vector<16xi32>
      %reduce_min3A_188 = arith.xori %get3A_183, %reduce_min3A_187 : vector<16xi32>
      %reduce_min3A_189 = tpu.scan <min>, %reduce_min3A_188 masked %reduce_min3A_185 : vector<16xi32>, vector<16xi1> -> vector<16xi32>
      %reduce_min3A_190 = arith.xori %reduce_min3A_189, %reduce_min3A_187 : vector<16xi32>
      %reduce_min3A_191 = vector.extract %reduce_min3A_190[15] : i32 from vector<16xi32>
      %get3A_192 = arith.index_cast %while3A_142 : i32 to index
      %get3A_193 = arith.constant 112 : index
      %get3A_194 = tpu.vector_load %arg7[%get3A_192, %get3A_193] {strides = array<i32>} : memref<25x128xi32, #tpu.memory_space<vmem>>, vector<16xi32>,
      %reduce_max3A_195 = arith.constant true
      %reduce_max3A_196 = vector.broadcast %reduce_max3A_195 : i1 to vector<16xi1>
      %reduce_max3A_197 = arith.constant -2147483648 : i32
      %reduce_max3A_198 = vector.broadcast %reduce_max3A_197 : i32 to vector<16xi32>
      %reduce_max3A_199 = arith.xori %get3A_194, %reduce_max3A_198 : vector<16xi32>
      %reduce_max3A_200 = tpu.scan <max>, %reduce_max3A_199 masked %reduce_max3A_196 : vector<16xi32>, vector<16xi1> -> vector<16xi32>
      %reduce_max3A_201 = arith.xori %reduce_max3A_200, %reduce_max3A_198 : vector<16xi32>
      %reduce_max3A_202 = vector.extract %reduce_max3A_201[15] : i32 from vector<16xi32>
      %eq3A_203 = arith.cmpi eq, %reduce_min3A_191, %reduce_max3A_202 : i32
      %not3A_204 = arith.constant true
      %not3A_205 = arith.xori %ge3A_53, %not3A_204 : i1
      %and3A = arith.andi %eq3A_203, %not3A_205 : i1
      %convert_element_type3A_206 = arith.extui %and3A : i1 to i32
      %cond3A_207 = arith.constant 0 : i32
      %cond3A_208 = arith.constant 0 : i32
      %cond3A_209 = arith.cmpi ne, %convert_element_type3A_206, %cond3A_208 : i32
      %cond3A_210 = scf.if %cond3A_209 -> (i32) {
        %scan3A_223 = arith.constant 0 : i32
        %scan3A_224 = arith.constant 128 : i32
        %scan3A_225 = arith.addi %scan3A_223, %scan3A_224 : i32
        %scan3A_226 = arith.constant 1 : i32
        %scan3A_227:8 = scf.for %scan3A_298 = %scan3A_223 to %scan3A_225 step %scan3A_226 iter_args(%scan3A_299 = %broadcast_in_dim3A_30, %scan3A_300 = %broadcast_in_dim3A_30, %scan3A_301 = %broadcast_in_dim3A_30, %scan3A_302 = %broadcast_in_dim3A_30, %scan3A_303 = %broadcast_in_dim3A_30, %scan3A_304 = %broadcast_in_dim3A_30, %scan3A_305 = %broadcast_in_dim3A_30, %scan3A_306 = %broadcast_in_dim3A_30) -> (vector<16xf32>, vector<16xf32>, vector<16xf32>, vector<16xf32>, vector<16xf32>, vector<16xf32>, vector<16xf32>, vector<16xf32>)  : i32 {
          %get3A_307 = arith.index_cast %rem3A_145 : i32 to index
          %get3A_308 = arith.index_cast %scan3A_298 : i32 to index
          %get3A_309 = arith.constant 0 : index
          %get3A_310 = tpu.vector_load %arg8[%get3A_307, %get3A_308, %get3A_309] {strides = array<i32>} : memref<2x128x128xf32, #tpu.memory_space<vmem>>, vector<16xf32>,
          %add3A_311 = arith.addf %scan3A_299, %get3A_310 : vector<16xf32>
          %get3A_312 = arith.index_cast %rem3A_145 : i32 to index
          %get3A_313 = arith.index_cast %scan3A_298 : i32 to index
          %get3A_314 = arith.constant 16 : index
          %get3A_315 = tpu.vector_load %arg8[%get3A_312, %get3A_313, %get3A_314] {strides = array<i32>} : memref<2x128x128xf32, #tpu.memory_space<vmem>>, vector<16xf32>,
          %add3A_316 = arith.addf %scan3A_300, %get3A_315 : vector<16xf32>
          %get3A_317 = arith.index_cast %rem3A_145 : i32 to index
          %get3A_318 = arith.index_cast %scan3A_298 : i32 to index
          %get3A_319 = arith.constant 32 : index
          %get3A_320 = tpu.vector_load %arg8[%get3A_317, %get3A_318, %get3A_319] {strides = array<i32>} : memref<2x128x128xf32, #tpu.memory_space<vmem>>, vector<16xf32>,
          %add3A_321 = arith.addf %scan3A_301, %get3A_320 : vector<16xf32>
          %get3A_322 = arith.index_cast %rem3A_145 : i32 to index
          %get3A_323 = arith.index_cast %scan3A_298 : i32 to index
          %get3A_324 = arith.constant 48 : index
          %get3A_325 = tpu.vector_load %arg8[%get3A_322, %get3A_323, %get3A_324] {strides = array<i32>} : memref<2x128x128xf32, #tpu.memory_space<vmem>>, vector<16xf32>,
          %add3A_326 = arith.addf %scan3A_302, %get3A_325 : vector<16xf32>
          %get3A_327 = arith.index_cast %rem3A_145 : i32 to index
          %get3A_328 = arith.index_cast %scan3A_298 : i32 to index
          %get3A_329 = arith.constant 64 : index
          %get3A_330 = tpu.vector_load %arg8[%get3A_327, %get3A_328, %get3A_329] {strides = array<i32>} : memref<2x128x128xf32, #tpu.memory_space<vmem>>, vector<16xf32>,
          %add3A_331 = arith.addf %scan3A_303, %get3A_330 : vector<16xf32>
          %get3A_332 = arith.index_cast %rem3A_145 : i32 to index
          %get3A_333 = arith.index_cast %scan3A_298 : i32 to index
          %get3A_334 = arith.constant 80 : index
          %get3A_335 = tpu.vector_load %arg8[%get3A_332, %get3A_333, %get3A_334] {strides = array<i32>} : memref<2x128x128xf32, #tpu.memory_space<vmem>>, vector<16xf32>,
          %add3A_336 = arith.addf %scan3A_304, %get3A_335 : vector<16xf32>
          %get3A_337 = arith.index_cast %rem3A_145 : i32 to index
          %get3A_338 = arith.index_cast %scan3A_298 : i32 to index
          %get3A_339 = arith.constant 96 : index
          %get3A_340 = tpu.vector_load %arg8[%get3A_337, %get3A_338, %get3A_339] {strides = array<i32>} : memref<2x128x128xf32, #tpu.memory_space<vmem>>, vector<16xf32>,
          %add3A_341 = arith.addf %scan3A_305, %get3A_340 : vector<16xf32>
          %get3A_342 = arith.index_cast %rem3A_145 : i32 to index
          %get3A_343 = arith.index_cast %scan3A_298 : i32 to index
          %get3A_344 = arith.constant 112 : index
          %get3A_345 = tpu.vector_load %arg8[%get3A_342, %get3A_343, %get3A_344] {strides = array<i32>} : memref<2x128x128xf32, #tpu.memory_space<vmem>>, vector<16xf32>,
          %add3A_346 = arith.addf %scan3A_306, %get3A_345 : vector<16xf32>
          scf.yield %add3A_311, %add3A_316, %add3A_321, %add3A_326, %add3A_331, %add3A_336, %add3A_341, %add3A_346 : vector<16xf32>, vector<16xf32>, vector<16xf32>, vector<16xf32>, vector<16xf32>, vector<16xf32>, vector<16xf32>, vector<16xf32>
        }
        %scan3A_228 = arith.constant 128 : i32
        %get3A_229 = arith.index_cast %while3A_142 : i32 to index
        %get3A_230 = arith.constant 0 : index
        %get3A_231 = tpu.vector_load %arg7[%get3A_229, %get3A_230] {strides = array<i32>} : memref<25x128xi32, #tpu.memory_space<vmem>>, vector<16xi32>,
        %reduce_min3A_232 = arith.constant true
        %reduce_min3A_233 = vector.broadcast %reduce_min3A_232 : i1 to vector<16xi1>
        %reduce_min3A_234 = arith.constant -2147483648 : i32
        %reduce_min3A_235 = vector.broadcast %reduce_min3A_234 : i32 to vector<16xi32>
        %reduce_min3A_236 = arith.xori %get3A_231, %reduce_min3A_235 : vector<16xi32>
        %reduce_min3A_237 = tpu.scan <min>, %reduce_min3A_236 masked %reduce_min3A_233 : vector<16xi32>, vector<16xi1> -> vector<16xi32>
        %reduce_min3A_238 = arith.xori %reduce_min3A_237, %reduce_min3A_235 : vector<16xi32>
        %reduce_min3A_239 = vector.extract %reduce_min3A_238[15] : i32 from vector<16xi32>
        %sub3A_240 = arith.subi %reduce_min3A_239, %reduce_min3A_40 : i32
        %get3A_241 = arith.index_cast %sub3A_240 : i32 to index
        %get3A_242 = arith.constant 0 : index
        %get3A_243 = tpu.vector_load %arg11[%get3A_241, %get3A_242] {strides = array<i32>} : memref<64x128xf32, #tpu.memory_space<vmem>>, vector<16xf32>,
        %add3A_244 = arith.addf %get3A_243, %scan3A_227#0 : vector<16xf32>
        %swap3A_245 = arith.index_cast %sub3A_240 : i32 to index
        %swap3A_246 = arith.constant 0 : index
        %swap3A_247 = tpu.vector_load %arg11[%swap3A_245, %swap3A_246] {strides = array<i32>} : memref<64x128xf32, #tpu.memory_space<vmem>>, vector<16xf32>,
        tpu.vector_store %arg11[%swap3A_245, %swap3A_246], %add3A_244 {strides = array<i32>} : memref<64x128xf32, #tpu.memory_space<vmem>>, vector<16xf32>,
        %get3A_248 = arith.index_cast %sub3A_240 : i32 to index
        %get3A_249 = arith.constant 16 : index
        %get3A_250 = tpu.vector_load %arg11[%get3A_248, %get3A_249] {strides = array<i32>} : memref<64x128xf32, #tpu.memory_space<vmem>>, vector<16xf32>,
        %add3A_251 = arith.addf %get3A_250, %scan3A_227#1 : vector<16xf32>
        %swap3A_252 = arith.index_cast %sub3A_240 : i32 to index
        %swap3A_253 = arith.constant 16 : index
        %swap3A_254 = tpu.vector_load %arg11[%swap3A_252, %swap3A_253] {strides = array<i32>} : memref<64x128xf32, #tpu.memory_space<vmem>>, vector<16xf32>,
        tpu.vector_store %arg11[%swap3A_252, %swap3A_253], %add3A_251 {strides = array<i32>} : memref<64x128xf32, #tpu.memory_space<vmem>>, vector<16xf32>,
        %get3A_255 = arith.index_cast %sub3A_240 : i32 to index
        %get3A_256 = arith.constant 32 : index
        %get3A_257 = tpu.vector_load %arg11[%get3A_255, %get3A_256] {strides = array<i32>} : memref<64x128xf32, #tpu.memory_space<vmem>>, vector<16xf32>,
        %add3A_258 = arith.addf %get3A_257, %scan3A_227#2 : vector<16xf32>
        %swap3A_259 = arith.index_cast %sub3A_240 : i32 to index
        %swap3A_260 = arith.constant 32 : index
        %swap3A_261 = tpu.vector_load %arg11[%swap3A_259, %swap3A_260] {strides = array<i32>} : memref<64x128xf32, #tpu.memory_space<vmem>>, vector<16xf32>,
        tpu.vector_store %arg11[%swap3A_259, %swap3A_260], %add3A_258 {strides = array<i32>} : memref<64x128xf32, #tpu.memory_space<vmem>>, vector<16xf32>,
        %get3A_262 = arith.index_cast %sub3A_240 : i32 to index
        %get3A_263 = arith.constant 48 : index
        %get3A_264 = tpu.vector_load %arg11[%get3A_262, %get3A_263] {strides = array<i32>} : memref<64x128xf32, #tpu.memory_space<vmem>>, vector<16xf32>,
        %add3A_265 = arith.addf %get3A_264, %scan3A_227#3 : vector<16xf32>
        %swap3A_266 = arith.index_cast %sub3A_240 : i32 to index
        %swap3A_267 = arith.constant 48 : index
        %swap3A_268 = tpu.vector_load %arg11[%swap3A_266, %swap3A_267] {strides = array<i32>} : memref<64x128xf32, #tpu.memory_space<vmem>>, vector<16xf32>,
        tpu.vector_store %arg11[%swap3A_266, %swap3A_267], %add3A_265 {strides = array<i32>} : memref<64x128xf32, #tpu.memory_space<vmem>>, vector<16xf32>,
        %get3A_269 = arith.index_cast %sub3A_240 : i32 to index
        %get3A_270 = arith.constant 64 : index
        %get3A_271 = tpu.vector_load %arg11[%get3A_269, %get3A_270] {strides = array<i32>} : memref<64x128xf32, #tpu.memory_space<vmem>>, vector<16xf32>,
        %add3A_272 = arith.addf %get3A_271, %scan3A_227#4 : vector<16xf32>
        %swap3A_273 = arith.index_cast %sub3A_240 : i32 to index
        %swap3A_274 = arith.constant 64 : index
        %swap3A_275 = tpu.vector_load %arg11[%swap3A_273, %swap3A_274] {strides = array<i32>} : memref<64x128xf32, #tpu.memory_space<vmem>>, vector<16xf32>,
        tpu.vector_store %arg11[%swap3A_273, %swap3A_274], %add3A_272 {strides = array<i32>} : memref<64x128xf32, #tpu.memory_space<vmem>>, vector<16xf32>,
        %get3A_276 = arith.index_cast %sub3A_240 : i32 to index
        %get3A_277 = arith.constant 80 : index
        %get3A_278 = tpu.vector_load %arg11[%get3A_276, %get3A_277] {strides = array<i32>} : memref<64x128xf32, #tpu.memory_space<vmem>>, vector<16xf32>,
        %add3A_279 = arith.addf %get3A_278, %scan3A_227#5 : vector<16xf32>
        %swap3A_280 = arith.index_cast %sub3A_240 : i32 to index
        %swap3A_281 = arith.constant 80 : index
        %swap3A_282 = tpu.vector_load %arg11[%swap3A_280, %swap3A_281] {strides = array<i32>} : memref<64x128xf32, #tpu.memory_space<vmem>>, vector<16xf32>,
        tpu.vector_store %arg11[%swap3A_280, %swap3A_281], %add3A_279 {strides = array<i32>} : memref<64x128xf32, #tpu.memory_space<vmem>>, vector<16xf32>,
        %get3A_283 = arith.index_cast %sub3A_240 : i32 to index
        %get3A_284 = arith.constant 96 : index
        %get3A_285 = tpu.vector_load %arg11[%get3A_283, %get3A_284] {strides = array<i32>} : memref<64x128xf32, #tpu.memory_space<vmem>>, vector<16xf32>,
        %add3A_286 = arith.addf %get3A_285, %scan3A_227#6 : vector<16xf32>
        %swap3A_287 = arith.index_cast %sub3A_240 : i32 to index
        %swap3A_288 = arith.constant 96 : index
        %swap3A_289 = tpu.vector_load %arg11[%swap3A_287, %swap3A_288] {strides = array<i32>} : memref<64x128xf32, #tpu.memory_space<vmem>>, vector<16xf32>,
        tpu.vector_store %arg11[%swap3A_287, %swap3A_288], %add3A_286 {strides = array<i32>} : memref<64x128xf32, #tpu.memory_space<vmem>>, vector<16xf32>,
        %get3A_290 = arith.index_cast %sub3A_240 : i32 to index
        %get3A_291 = arith.constant 112 : index
        %get3A_292 = tpu.vector_load %arg11[%get3A_290, %get3A_291] {strides = array<i32>} : memref<64x128xf32, #tpu.memory_space<vmem>>, vector<16xf32>,
        %add3A_293 = arith.addf %get3A_292, %scan3A_227#7 : vector<16xf32>
        %swap3A_294 = arith.index_cast %sub3A_240 : i32 to index
        %swap3A_295 = arith.constant 112 : index
        %swap3A_296 = tpu.vector_load %arg11[%swap3A_294, %swap3A_295] {strides = array<i32>} : memref<64x128xf32, #tpu.memory_space<vmem>>, vector<16xf32>,
        tpu.vector_store %arg11[%swap3A_294, %swap3A_295], %add3A_293 {strides = array<i32>} : memref<64x128xf32, #tpu.memory_space<vmem>>, vector<16xf32>,
        %cond3A_297 = arith.constant 0 : i32
        scf.yield %cond3A_297 : i32
      } else {
        %dma_start3A_223 = arith.constant 0 : i32
        %dma_start3A_224 = arith.constant 0 : i32
        %dma_start3A_225 = tpu.memref_slice %arg8[%rem3A_145, %dma_start3A_223, %dma_start3A_224] : memref<2x128x128xf32, #tpu.memory_space<vmem>> -> memref<1x128x128xf32, #tpu.memory_space<vmem>>
        %dma_start3A_226 = tpu.memref_squeeze %dma_start3A_225 : memref<1x128x128xf32, #tpu.memory_space<vmem>> -> memref<128x128xf32, #tpu.memory_space<vmem>>
        %dma_start3A_227 = arith.constant 0 : i32
        %dma_start3A_228 = tpu.memref_slice %arg7[%while3A_142, %dma_start3A_227] : memref<25x128xi32, #tpu.memory_space<vmem>> -> memref<1x128xi32, #tpu.memory_space<vmem>>
        %dma_start3A_229 = tpu.memref_squeeze %dma_start3A_228 : memref<1x128xi32, #tpu.memory_space<vmem>> -> memref<128xi32, #tpu.memory_space<vmem>>
        %dma_start3A_230 = arith.constant 0 : i32
        %dma_start3A_231 = arith.constant 0 : i32
        %dma_start3A_232 = tpu.memref_slice %arg10[%dma_start3A_230, %dma_start3A_231] : memref<640x128xf32, #tpu.memory_space<vmem_shared>> -> memref<640x128xf32, #tpu.memory_space<vmem_shared>>
        %dma_start3A_233 = tpu.memref_slice %arg15[%rem3A_145] : memref<2x!tpu.dma_semaphore, #tpu.memory_space<semaphore_mem>> -> memref<1x!tpu.dma_semaphore, #tpu.memory_space<semaphore_mem>>
        %dma_start3A_234 = tpu.memref_squeeze %dma_start3A_233 : memref<1x!tpu.dma_semaphore, #tpu.memory_space<semaphore_mem>> -> memref<!tpu.dma_semaphore, #tpu.memory_space<semaphore_mem>>
        tpu.enqueue_indirect_dma source(%dma_start3A_226 : memref<128x128xf32, #tpu.memory_space<vmem>>) target(%dma_start3A_232 : memref<640x128xf32, #tpu.memory_space<vmem_shared>>) offsets(%dma_start3A_229 : memref<128xi32, #tpu.memory_space<vmem>>) semaphore(%dma_start3A_234 : memref<!tpu.dma_semaphore, #tpu.memory_space<semaphore_mem>>) {add = true}
        %cond3A_235 = arith.constant 0 : i32
        scf.yield %cond3A_235 : i32
      }
      %add3A_211 = arith.constant 1 : i32
      %add3A_212 = arith.addi %while3A_142, %add3A_211 : i32
      %jit3A_213 = arith.constant 0 : i32
      %select_n3A_214 = arith.select %and3A, %jit3A_213, %add3A_212 : i32
      %eq3A_215 = arith.constant 0 : i32
      %eq3A_216 = arith.cmpi eq, %rem3A_145, %eq3A_215 : i32
      %jit3A_217 = arith.constant 0 : i32
      %select_n3A_218 = arith.select %eq3A_216, %select_n3A_214, %jit3A_217 : i32
      %eq3A_219 = arith.constant 0 : i32
      %eq3A_220 = arith.cmpi eq, %rem3A_145, %eq3A_219 : i32
      %jit3A_221 = arith.constant 0 : i32
      %select_n3A_222 = arith.select %eq3A_220, %jit3A_221, %select_n3A_214 : i32
      scf.yield %select_n3A_218, %select_n3A_222 : i32, i32
    }
    %while3A_125 = arith.constant 1 : i32
    %while3A_126:2 = scf.for %while3A_142 = %while3A_122 to %while3A_118 step %while3A_125 iter_args(%while3A_143 = %while3A_124#0, %while3A_144 = %while3A_124#1) -> (i32, i32)  : i32 {
      %rem3A = arith.constant 2 : i32
      %rem3A_145 = arith.remsi %while3A_142, %rem3A : i32
      %add3A_146 = arith.addi %add3A_4, %while3A_142 : i32
      %eq3A_147 = arith.constant 0 : i32
      %eq3A_148 = arith.cmpi eq, %rem3A_145, %eq3A_147 : i32
      %select_n3A_149 = arith.select %eq3A_148, %while3A_144, %while3A_143 : i32
      %gt3A_150 = arith.constant 0 : i32
      %gt3A_151 = arith.cmpi sgt, %select_n3A_149, %gt3A_150 : i32
      %convert_element_type3A_152 = arith.extui %gt3A_151 : i1 to i32
      %cond3A_153 = arith.constant 0 : i32
      %cond3A_154 = arith.cmpi ne, %convert_element_type3A_152, %cond3A_153 : i32
      scf.if %cond3A_154 {
        %sub3A_223 = arith.constant 1 : i32
        %sub3A_224 = arith.subi %select_n3A_149, %sub3A_223 : i32
        %sub3A_225 = arith.constant 1 : i32
        %sub3A_226 = arith.subi %sub3A_225, %rem3A_145 : i32
        %dma_wait3A_227 = arith.constant 0 : i32
        %dma_wait3A_228 = arith.constant 0 : i32
        %dma_wait3A_229 = tpu.memref_slice %arg8[%sub3A_226, %dma_wait3A_227, %dma_wait3A_228] : memref<2x128x128xf32, #tpu.memory_space<vmem>> -> memref<1x128x128xf32, #tpu.memory_space<vmem>>
        %dma_wait3A_230 = tpu.memref_squeeze %dma_wait3A_229 : memref<1x128x128xf32, #tpu.memory_space<vmem>> -> memref<128x128xf32, #tpu.memory_space<vmem>>
        %dma_wait3A_231 = arith.constant 0 : i32
        %dma_wait3A_232 = tpu.memref_slice %arg7[%sub3A_224, %dma_wait3A_231] : memref<25x128xi32, #tpu.memory_space<vmem>> -> memref<1x128xi32, #tpu.memory_space<vmem>>
        %dma_wait3A_233 = tpu.memref_squeeze %dma_wait3A_232 : memref<1x128xi32, #tpu.memory_space<vmem>> -> memref<128xi32, #tpu.memory_space<vmem>>
        %dma_wait3A_234 = arith.constant 0 : i32
        %dma_wait3A_235 = arith.constant 0 : i32
        %dma_wait3A_236 = tpu.memref_slice %arg10[%dma_wait3A_234, %dma_wait3A_235] : memref<640x128xf32, #tpu.memory_space<vmem_shared>> -> memref<640x128xf32, #tpu.memory_space<vmem_shared>>
        %dma_wait3A_237 = tpu.memref_slice %arg15[%sub3A_226] : memref<2x!tpu.dma_semaphore, #tpu.memory_space<semaphore_mem>> -> memref<1x!tpu.dma_semaphore, #tpu.memory_space<semaphore_mem>>
        %dma_wait3A_238 = tpu.memref_squeeze %dma_wait3A_237 : memref<1x!tpu.dma_semaphore, #tpu.memory_space<semaphore_mem>> -> memref<!tpu.dma_semaphore, #tpu.memory_space<semaphore_mem>>
        tpu.wait_indirect_dma semaphore(%dma_wait3A_238 : memref<!tpu.dma_semaphore, #tpu.memory_space<semaphore_mem>>) src(%dma_wait3A_230 : memref<128x128xf32, #tpu.memory_space<vmem>>) dst(%dma_wait3A_236 : memref<640x128xf32, #tpu.memory_space<vmem_shared>>)
      } else {
      }
      %add3A_155 = arith.constant 1 : i32
      %add3A_156 = arith.addi %while3A_142, %add3A_155 : i32
      %lt3A_157 = arith.cmpi slt, %add3A_156, %add3A_8 : i32
      %convert_element_type3A_158 = arith.extui %lt3A_157 : i1 to i32
      %cond3A_159 = arith.constant 0 : i32
      %cond3A_160 = arith.cmpi ne, %convert_element_type3A_158, %cond3A_159 : i32
      scf.if %cond3A_160 {
        %add3A_223 = arith.constant 1 : i32
        %add3A_224 = arith.addi %while3A_142, %add3A_223 : i32
        %sub3A_225 = arith.constant 1 : i32
        %sub3A_226 = arith.subi %sub3A_225, %rem3A_145 : i32
        %add3A_227 = arith.addi %add3A_4, %add3A_224 : i32
        %eq3A_228 = arith.constant 781 : i32
        %eq3A_229 = arith.cmpi eq, %add3A_227, %eq3A_228 : i32
        %mul3A_230 = arith.constant 128 : i32
        %mul3A_231 = arith.muli %add3A_227, %mul3A_230 : i32
        %jit3A_232 = arith.constant 99872 : i32
        %select_n3A_233 = arith.select %eq3A_229, %jit3A_232, %mul3A_231 : i32
        %multiple_of3A_234 = tpu.assume_multiple %select_n3A_233, 8 : i32
        %dma_start3A_235 = arith.constant 0 : i32
        %dma_start3A_236 = arith.constant 0 : i32
        %dma_start3A_237 = tpu.memref_slice %arg8[%sub3A_226, %dma_start3A_235, %dma_start3A_236] : memref<2x128x128xf32, #tpu.memory_space<vmem>> -> memref<1x128x128xf32, #tpu.memory_space<vmem>>
        %dma_start3A_238 = tpu.memref_squeeze %dma_start3A_237 : memref<1x128x128xf32, #tpu.memory_space<vmem>> -> memref<128x128xf32, #tpu.memory_space<vmem>>
        %dma_start3A_239 = arith.constant 0 : i32
        %dma_start3A_240 = tpu.memref_slice %arg3[%multiple_of3A_234, %dma_start3A_239] : memref<100000x128xf32, #tpu.memory_space<hbm>> -> memref<128x128xf32, #tpu.memory_space<hbm>>
        %dma_start3A_241 = tpu.memref_slice %arg13[%sub3A_226] : memref<2x!tpu.dma_semaphore, #tpu.memory_space<semaphore_mem>> -> memref<1x!tpu.dma_semaphore, #tpu.memory_space<semaphore_mem>>
        %dma_start3A_242 = tpu.memref_squeeze %dma_start3A_241 : memref<1x!tpu.dma_semaphore, #tpu.memory_space<semaphore_mem>> -> memref<!tpu.dma_semaphore, #tpu.memory_space<semaphore_mem>>
        %dma_start3A_243 = arith.constant 0 : i32
        %dma_start3A_244 = arith.constant 0 : i32
        %dma_start3A_245 = tpu.memref_slice %arg8[%sub3A_226, %dma_start3A_243, %dma_start3A_244] : memref<2x128x128xf32, #tpu.memory_space<vmem>> -> memref<1x128x128xf32, #tpu.memory_space<vmem>>
        %dma_start3A_246 = tpu.memref_squeeze %dma_start3A_245 : memref<1x128x128xf32, #tpu.memory_space<vmem>> -> memref<128x128xf32, #tpu.memory_space<vmem>>
        %dma_start3A_247 = arith.constant 0 : i32
        %dma_start3A_248 = tpu.memref_slice %arg3[%multiple_of3A_234, %dma_start3A_247] : memref<100000x128xf32, #tpu.memory_space<hbm>> -> memref<128x128xf32, #tpu.memory_space<hbm>>
        tpu.enqueue_dma source(%dma_start3A_248 : memref<128x128xf32, #tpu.memory_space<hbm>>) target(%dma_start3A_246 : memref<128x128xf32, #tpu.memory_space<vmem>>) target_semaphore(%dma_start3A_242 : memref<!tpu.dma_semaphore, #tpu.memory_space<semaphore_mem>>)
      } else {
      }
      %eq3A_161 = arith.constant 781 : i32
      %eq3A_162 = arith.cmpi eq, %add3A_146, %eq3A_161 : i32
      %mul3A_163 = arith.constant 128 : i32
      %mul3A_164 = arith.muli %add3A_146, %mul3A_163 : i32
      %jit3A_165 = arith.constant 99872 : i32
      %select_n3A_166 = arith.select %eq3A_162, %jit3A_165, %mul3A_164 : i32
      %multiple_of3A_167 = tpu.assume_multiple %select_n3A_166, 8 : i32
      %dma_wait3A = arith.constant 0 : i32
      %dma_wait3A_168 = arith.constant 0 : i32
      %dma_wait3A_169 = tpu.memref_slice %arg8[%rem3A_145, %dma_wait3A, %dma_wait3A_168] : memref<2x128x128xf32, #tpu.memory_space<vmem>> -> memref<1x128x128xf32, #tpu.memory_space<vmem>>
      %dma_wait3A_170 = tpu.memref_squeeze %dma_wait3A_169 : memref<1x128x128xf32, #tpu.memory_space<vmem>> -> memref<128x128xf32, #tpu.memory_space<vmem>>
      %dma_wait3A_171 = arith.constant 0 : i32
      %dma_wait3A_172 = tpu.memref_slice %arg3[%multiple_of3A_167, %dma_wait3A_171] : memref<100000x128xf32, #tpu.memory_space<hbm>> -> memref<128x128xf32, #tpu.memory_space<hbm>>
      %dma_wait3A_173 = tpu.memref_slice %arg13[%rem3A_145] : memref<2x!tpu.dma_semaphore, #tpu.memory_space<semaphore_mem>> -> memref<1x!tpu.dma_semaphore, #tpu.memory_space<semaphore_mem>>
      %dma_wait3A_174 = tpu.memref_squeeze %dma_wait3A_173 : memref<1x!tpu.dma_semaphore, #tpu.memory_space<semaphore_mem>> -> memref<!tpu.dma_semaphore, #tpu.memory_space<semaphore_mem>>
      %dma_wait3A_175 = arith.constant 0 : i32
      %dma_wait3A_176 = arith.constant 0 : i32
      %dma_wait3A_177 = tpu.memref_slice %arg8[%rem3A_145, %dma_wait3A_175, %dma_wait3A_176] : memref<2x128x128xf32, #tpu.memory_space<vmem>> -> memref<1x128x128xf32, #tpu.memory_space<vmem>>
      %dma_wait3A_178 = tpu.memref_squeeze %dma_wait3A_177 : memref<1x128x128xf32, #tpu.memory_space<vmem>> -> memref<128x128xf32, #tpu.memory_space<vmem>>
      %dma_wait3A_179 = arith.constant 0 : i32
      %dma_wait3A_180 = tpu.memref_slice %arg3[%multiple_of3A_167, %dma_wait3A_179] : memref<100000x128xf32, #tpu.memory_space<hbm>> -> memref<128x128xf32, #tpu.memory_space<hbm>>
      tpu.wait_dma2 semaphore(%dma_wait3A_174 : memref<!tpu.dma_semaphore, #tpu.memory_space<semaphore_mem>>) src(%dma_wait3A_180 : memref<128x128xf32, #tpu.memory_space<hbm>>) dst(%dma_wait3A_178 : memref<128x128xf32, #tpu.memory_space<vmem>>)
      %get3A_181 = arith.index_cast %while3A_142 : i32 to index
      %get3A_182 = arith.constant 0 : index
      %get3A_183 = tpu.vector_load %arg7[%get3A_181, %get3A_182] {strides = array<i32>} : memref<25x128xi32, #tpu.memory_space<vmem>>, vector<16xi32>,
      %reduce_min3A_184 = arith.constant true
      %reduce_min3A_185 = vector.broadcast %reduce_min3A_184 : i1 to vector<16xi1>
      %reduce_min3A_186 = arith.constant -2147483648 : i32
      %reduce_min3A_187 = vector.broadcast %reduce_min3A_186 : i32 to vector<16xi32>
      %reduce_min3A_188 = arith.xori %get3A_183, %reduce_min3A_187 : vector<16xi32>
      %reduce_min3A_189 = tpu.scan <min>, %reduce_min3A_188 masked %reduce_min3A_185 : vector<16xi32>, vector<16xi1> -> vector<16xi32>
      %reduce_min3A_190 = arith.xori %reduce_min3A_189, %reduce_min3A_187 : vector<16xi32>
      %reduce_min3A_191 = vector.extract %reduce_min3A_190[15] : i32 from vector<16xi32>
      %get3A_192 = arith.index_cast %while3A_142 : i32 to index
      %get3A_193 = arith.constant 112 : index
      %get3A_194 = tpu.vector_load %arg7[%get3A_192, %get3A_193] {strides = array<i32>} : memref<25x128xi32, #tpu.memory_space<vmem>>, vector<16xi32>,
      %reduce_max3A_195 = arith.constant true
      %reduce_max3A_196 = vector.broadcast %reduce_max3A_195 : i1 to vector<16xi1>
      %reduce_max3A_197 = arith.constant -2147483648 : i32
      %reduce_max3A_198 = vector.broadcast %reduce_max3A_197 : i32 to vector<16xi32>
      %reduce_max3A_199 = arith.xori %get3A_194, %reduce_max3A_198 : vector<16xi32>
      %reduce_max3A_200 = tpu.scan <max>, %reduce_max3A_199 masked %reduce_max3A_196 : vector<16xi32>, vector<16xi1> -> vector<16xi32>
      %reduce_max3A_201 = arith.xori %reduce_max3A_200, %reduce_max3A_198 : vector<16xi32>
      %reduce_max3A_202 = vector.extract %reduce_max3A_201[15] : i32 from vector<16xi32>
      %eq3A_203 = arith.cmpi eq, %reduce_min3A_191, %reduce_max3A_202 : i32
      %not3A_204 = arith.constant true
      %not3A_205 = arith.xori %ge3A_53, %not3A_204 : i1
      %and3A = arith.andi %eq3A_203, %not3A_205 : i1
      %convert_element_type3A_206 = arith.extui %and3A : i1 to i32
      %cond3A_207 = arith.constant 0 : i32
      %cond3A_208 = arith.constant 0 : i32
      %cond3A_209 = arith.cmpi ne, %convert_element_type3A_206, %cond3A_208 : i32
      %cond3A_210 = scf.if %cond3A_209 -> (i32) {
        %scan3A_223 = arith.constant 0 : i32
        %scan3A_224 = arith.constant 128 : i32
        %scan3A_225 = arith.addi %scan3A_223, %scan3A_224 : i32
        %scan3A_226 = arith.constant 1 : i32
        %scan3A_227:8 = scf.for %scan3A_298 = %scan3A_223 to %scan3A_225 step %scan3A_226 iter_args(%scan3A_299 = %broadcast_in_dim3A_30, %scan3A_300 = %broadcast_in_dim3A_30, %scan3A_301 = %broadcast_in_dim3A_30, %scan3A_302 = %broadcast_in_dim3A_30, %scan3A_303 = %broadcast_in_dim3A_30, %scan3A_304 = %broadcast_in_dim3A_30, %scan3A_305 = %broadcast_in_dim3A_30, %scan3A_306 = %broadcast_in_dim3A_30) -> (vector<16xf32>, vector<16xf32>, vector<16xf32>, vector<16xf32>, vector<16xf32>, vector<16xf32>, vector<16xf32>, vector<16xf32>)  : i32 {
          %get3A_307 = arith.index_cast %rem3A_145 : i32 to index
          %get3A_308 = arith.index_cast %scan3A_298 : i32 to index
          %get3A_309 = arith.constant 0 : index
          %get3A_310 = tpu.vector_load %arg8[%get3A_307, %get3A_308, %get3A_309] {strides = array<i32>} : memref<2x128x128xf32, #tpu.memory_space<vmem>>, vector<16xf32>,
          %add3A_311 = arith.addf %scan3A_299, %get3A_310 : vector<16xf32>
          %get3A_312 = arith.index_cast %rem3A_145 : i32 to index
          %get3A_313 = arith.index_cast %scan3A_298 : i32 to index
          %get3A_314 = arith.constant 16 : index
          %get3A_315 = tpu.vector_load %arg8[%get3A_312, %get3A_313, %get3A_314] {strides = array<i32>} : memref<2x128x128xf32, #tpu.memory_space<vmem>>, vector<16xf32>,
          %add3A_316 = arith.addf %scan3A_300, %get3A_315 : vector<16xf32>
          %get3A_317 = arith.index_cast %rem3A_145 : i32 to index
          %get3A_318 = arith.index_cast %scan3A_298 : i32 to index
          %get3A_319 = arith.constant 32 : index
          %get3A_320 = tpu.vector_load %arg8[%get3A_317, %get3A_318, %get3A_319] {strides = array<i32>} : memref<2x128x128xf32, #tpu.memory_space<vmem>>, vector<16xf32>,
          %add3A_321 = arith.addf %scan3A_301, %get3A_320 : vector<16xf32>
          %get3A_322 = arith.index_cast %rem3A_145 : i32 to index
          %get3A_323 = arith.index_cast %scan3A_298 : i32 to index
          %get3A_324 = arith.constant 48 : index
          %get3A_325 = tpu.vector_load %arg8[%get3A_322, %get3A_323, %get3A_324] {strides = array<i32>} : memref<2x128x128xf32, #tpu.memory_space<vmem>>, vector<16xf32>,
          %add3A_326 = arith.addf %scan3A_302, %get3A_325 : vector<16xf32>
          %get3A_327 = arith.index_cast %rem3A_145 : i32 to index
          %get3A_328 = arith.index_cast %scan3A_298 : i32 to index
          %get3A_329 = arith.constant 64 : index
          %get3A_330 = tpu.vector_load %arg8[%get3A_327, %get3A_328, %get3A_329] {strides = array<i32>} : memref<2x128x128xf32, #tpu.memory_space<vmem>>, vector<16xf32>,
          %add3A_331 = arith.addf %scan3A_303, %get3A_330 : vector<16xf32>
          %get3A_332 = arith.index_cast %rem3A_145 : i32 to index
          %get3A_333 = arith.index_cast %scan3A_298 : i32 to index
          %get3A_334 = arith.constant 80 : index
          %get3A_335 = tpu.vector_load %arg8[%get3A_332, %get3A_333, %get3A_334] {strides = array<i32>} : memref<2x128x128xf32, #tpu.memory_space<vmem>>, vector<16xf32>,
          %add3A_336 = arith.addf %scan3A_304, %get3A_335 : vector<16xf32>
          %get3A_337 = arith.index_cast %rem3A_145 : i32 to index
          %get3A_338 = arith.index_cast %scan3A_298 : i32 to index
          %get3A_339 = arith.constant 96 : index
          %get3A_340 = tpu.vector_load %arg8[%get3A_337, %get3A_338, %get3A_339] {strides = array<i32>} : memref<2x128x128xf32, #tpu.memory_space<vmem>>, vector<16xf32>,
          %add3A_341 = arith.addf %scan3A_305, %get3A_340 : vector<16xf32>
          %get3A_342 = arith.index_cast %rem3A_145 : i32 to index
          %get3A_343 = arith.index_cast %scan3A_298 : i32 to index
          %get3A_344 = arith.constant 112 : index
          %get3A_345 = tpu.vector_load %arg8[%get3A_342, %get3A_343, %get3A_344] {strides = array<i32>} : memref<2x128x128xf32, #tpu.memory_space<vmem>>, vector<16xf32>,
          %add3A_346 = arith.addf %scan3A_306, %get3A_345 : vector<16xf32>
          scf.yield %add3A_311, %add3A_316, %add3A_321, %add3A_326, %add3A_331, %add3A_336, %add3A_341, %add3A_346 : vector<16xf32>, vector<16xf32>, vector<16xf32>, vector<16xf32>, vector<16xf32>, vector<16xf32>, vector<16xf32>, vector<16xf32>
        }
        %scan3A_228 = arith.constant 128 : i32
        %get3A_229 = arith.index_cast %while3A_142 : i32 to index
        %get3A_230 = arith.constant 0 : index
        %get3A_231 = tpu.vector_load %arg7[%get3A_229, %get3A_230] {strides = array<i32>} : memref<25x128xi32, #tpu.memory_space<vmem>>, vector<16xi32>,
        %reduce_min3A_232 = arith.constant true
        %reduce_min3A_233 = vector.broadcast %reduce_min3A_232 : i1 to vector<16xi1>
        %reduce_min3A_234 = arith.constant -2147483648 : i32
        %reduce_min3A_235 = vector.broadcast %reduce_min3A_234 : i32 to vector<16xi32>
        %reduce_min3A_236 = arith.xori %get3A_231, %reduce_min3A_235 : vector<16xi32>
        %reduce_min3A_237 = tpu.scan <min>, %reduce_min3A_236 masked %reduce_min3A_233 : vector<16xi32>, vector<16xi1> -> vector<16xi32>
        %reduce_min3A_238 = arith.xori %reduce_min3A_237, %reduce_min3A_235 : vector<16xi32>
        %reduce_min3A_239 = vector.extract %reduce_min3A_238[15] : i32 from vector<16xi32>
        %sub3A_240 = arith.subi %reduce_min3A_239, %reduce_min3A_40 : i32
        %get3A_241 = arith.index_cast %sub3A_240 : i32 to index
        %get3A_242 = arith.constant 0 : index
        %get3A_243 = tpu.vector_load %arg11[%get3A_241, %get3A_242] {strides = array<i32>} : memref<64x128xf32, #tpu.memory_space<vmem>>, vector<16xf32>,
        %add3A_244 = arith.addf %get3A_243, %scan3A_227#0 : vector<16xf32>
        %swap3A_245 = arith.index_cast %sub3A_240 : i32 to index
        %swap3A_246 = arith.constant 0 : index
        %swap3A_247 = tpu.vector_load %arg11[%swap3A_245, %swap3A_246] {strides = array<i32>} : memref<64x128xf32, #tpu.memory_space<vmem>>, vector<16xf32>,
        tpu.vector_store %arg11[%swap3A_245, %swap3A_246], %add3A_244 {strides = array<i32>} : memref<64x128xf32, #tpu.memory_space<vmem>>, vector<16xf32>,
        %get3A_248 = arith.index_cast %sub3A_240 : i32 to index
        %get3A_249 = arith.constant 16 : index
        %get3A_250 = tpu.vector_load %arg11[%get3A_248, %get3A_249] {strides = array<i32>} : memref<64x128xf32, #tpu.memory_space<vmem>>, vector<16xf32>,
        %add3A_251 = arith.addf %get3A_250, %scan3A_227#1 : vector<16xf32>
        %swap3A_252 = arith.index_cast %sub3A_240 : i32 to index
        %swap3A_253 = arith.constant 16 : index
        %swap3A_254 = tpu.vector_load %arg11[%swap3A_252, %swap3A_253] {strides = array<i32>} : memref<64x128xf32, #tpu.memory_space<vmem>>, vector<16xf32>,
        tpu.vector_store %arg11[%swap3A_252, %swap3A_253], %add3A_251 {strides = array<i32>} : memref<64x128xf32, #tpu.memory_space<vmem>>, vector<16xf32>,
        %get3A_255 = arith.index_cast %sub3A_240 : i32 to index
        %get3A_256 = arith.constant 32 : index
        %get3A_257 = tpu.vector_load %arg11[%get3A_255, %get3A_256] {strides = array<i32>} : memref<64x128xf32, #tpu.memory_space<vmem>>, vector<16xf32>,
        %add3A_258 = arith.addf %get3A_257, %scan3A_227#2 : vector<16xf32>
        %swap3A_259 = arith.index_cast %sub3A_240 : i32 to index
        %swap3A_260 = arith.constant 32 : index
        %swap3A_261 = tpu.vector_load %arg11[%swap3A_259, %swap3A_260] {strides = array<i32>} : memref<64x128xf32, #tpu.memory_space<vmem>>, vector<16xf32>,
        tpu.vector_store %arg11[%swap3A_259, %swap3A_260], %add3A_258 {strides = array<i32>} : memref<64x128xf32, #tpu.memory_space<vmem>>, vector<16xf32>,
        %get3A_262 = arith.index_cast %sub3A_240 : i32 to index
        %get3A_263 = arith.constant 48 : index
        %get3A_264 = tpu.vector_load %arg11[%get3A_262, %get3A_263] {strides = array<i32>} : memref<64x128xf32, #tpu.memory_space<vmem>>, vector<16xf32>,
        %add3A_265 = arith.addf %get3A_264, %scan3A_227#3 : vector<16xf32>
        %swap3A_266 = arith.index_cast %sub3A_240 : i32 to index
        %swap3A_267 = arith.constant 48 : index
        %swap3A_268 = tpu.vector_load %arg11[%swap3A_266, %swap3A_267] {strides = array<i32>} : memref<64x128xf32, #tpu.memory_space<vmem>>, vector<16xf32>,
        tpu.vector_store %arg11[%swap3A_266, %swap3A_267], %add3A_265 {strides = array<i32>} : memref<64x128xf32, #tpu.memory_space<vmem>>, vector<16xf32>,
        %get3A_269 = arith.index_cast %sub3A_240 : i32 to index
        %get3A_270 = arith.constant 64 : index
        %get3A_271 = tpu.vector_load %arg11[%get3A_269, %get3A_270] {strides = array<i32>} : memref<64x128xf32, #tpu.memory_space<vmem>>, vector<16xf32>,
        %add3A_272 = arith.addf %get3A_271, %scan3A_227#4 : vector<16xf32>
        %swap3A_273 = arith.index_cast %sub3A_240 : i32 to index
        %swap3A_274 = arith.constant 64 : index
        %swap3A_275 = tpu.vector_load %arg11[%swap3A_273, %swap3A_274] {strides = array<i32>} : memref<64x128xf32, #tpu.memory_space<vmem>>, vector<16xf32>,
        tpu.vector_store %arg11[%swap3A_273, %swap3A_274], %add3A_272 {strides = array<i32>} : memref<64x128xf32, #tpu.memory_space<vmem>>, vector<16xf32>,
        %get3A_276 = arith.index_cast %sub3A_240 : i32 to index
        %get3A_277 = arith.constant 80 : index
        %get3A_278 = tpu.vector_load %arg11[%get3A_276, %get3A_277] {strides = array<i32>} : memref<64x128xf32, #tpu.memory_space<vmem>>, vector<16xf32>,
        %add3A_279 = arith.addf %get3A_278, %scan3A_227#5 : vector<16xf32>
        %swap3A_280 = arith.index_cast %sub3A_240 : i32 to index
        %swap3A_281 = arith.constant 80 : index
        %swap3A_282 = tpu.vector_load %arg11[%swap3A_280, %swap3A_281] {strides = array<i32>} : memref<64x128xf32, #tpu.memory_space<vmem>>, vector<16xf32>,
        tpu.vector_store %arg11[%swap3A_280, %swap3A_281], %add3A_279 {strides = array<i32>} : memref<64x128xf32, #tpu.memory_space<vmem>>, vector<16xf32>,
        %get3A_283 = arith.index_cast %sub3A_240 : i32 to index
        %get3A_284 = arith.constant 96 : index
        %get3A_285 = tpu.vector_load %arg11[%get3A_283, %get3A_284] {strides = array<i32>} : memref<64x128xf32, #tpu.memory_space<vmem>>, vector<16xf32>,
        %add3A_286 = arith.addf %get3A_285, %scan3A_227#6 : vector<16xf32>
        %swap3A_287 = arith.index_cast %sub3A_240 : i32 to index
        %swap3A_288 = arith.constant 96 : index
        %swap3A_289 = tpu.vector_load %arg11[%swap3A_287, %swap3A_288] {strides = array<i32>} : memref<64x128xf32, #tpu.memory_space<vmem>>, vector<16xf32>,
        tpu.vector_store %arg11[%swap3A_287, %swap3A_288], %add3A_286 {strides = array<i32>} : memref<64x128xf32, #tpu.memory_space<vmem>>, vector<16xf32>,
        %get3A_290 = arith.index_cast %sub3A_240 : i32 to index
        %get3A_291 = arith.constant 112 : index
        %get3A_292 = tpu.vector_load %arg11[%get3A_290, %get3A_291] {strides = array<i32>} : memref<64x128xf32, #tpu.memory_space<vmem>>, vector<16xf32>,
        %add3A_293 = arith.addf %get3A_292, %scan3A_227#7 : vector<16xf32>
        %swap3A_294 = arith.index_cast %sub3A_240 : i32 to index
        %swap3A_295 = arith.constant 112 : index
        %swap3A_296 = tpu.vector_load %arg11[%swap3A_294, %swap3A_295] {strides = array<i32>} : memref<64x128xf32, #tpu.memory_space<vmem>>, vector<16xf32>,
        tpu.vector_store %arg11[%swap3A_294, %swap3A_295], %add3A_293 {strides = array<i32>} : memref<64x128xf32, #tpu.memory_space<vmem>>, vector<16xf32>,
        %cond3A_297 = arith.constant 0 : i32
        scf.yield %cond3A_297 : i32
      } else {
        %dma_start3A_223 = arith.constant 0 : i32
        %dma_start3A_224 = arith.constant 0 : i32
        %dma_start3A_225 = tpu.memref_slice %arg8[%rem3A_145, %dma_start3A_223, %dma_start3A_224] : memref<2x128x128xf32, #tpu.memory_space<vmem>> -> memref<1x128x128xf32, #tpu.memory_space<vmem>>
        %dma_start3A_226 = tpu.memref_squeeze %dma_start3A_225 : memref<1x128x128xf32, #tpu.memory_space<vmem>> -> memref<128x128xf32, #tpu.memory_space<vmem>>
        %dma_start3A_227 = arith.constant 0 : i32
        %dma_start3A_228 = tpu.memref_slice %arg7[%while3A_142, %dma_start3A_227] : memref<25x128xi32, #tpu.memory_space<vmem>> -> memref<1x128xi32, #tpu.memory_space<vmem>>
        %dma_start3A_229 = tpu.memref_squeeze %dma_start3A_228 : memref<1x128xi32, #tpu.memory_space<vmem>> -> memref<128xi32, #tpu.memory_space<vmem>>
        %dma_start3A_230 = arith.constant 0 : i32
        %dma_start3A_231 = arith.constant 0 : i32
        %dma_start3A_232 = tpu.memref_slice %arg10[%dma_start3A_230, %dma_start3A_231] : memref<640x128xf32, #tpu.memory_space<vmem_shared>> -> memref<640x128xf32, #tpu.memory_space<vmem_shared>>
        %dma_start3A_233 = tpu.memref_slice %arg15[%rem3A_145] : memref<2x!tpu.dma_semaphore, #tpu.memory_space<semaphore_mem>> -> memref<1x!tpu.dma_semaphore, #tpu.memory_space<semaphore_mem>>
        %dma_start3A_234 = tpu.memref_squeeze %dma_start3A_233 : memref<1x!tpu.dma_semaphore, #tpu.memory_space<semaphore_mem>> -> memref<!tpu.dma_semaphore, #tpu.memory_space<semaphore_mem>>
        tpu.enqueue_indirect_dma source(%dma_start3A_226 : memref<128x128xf32, #tpu.memory_space<vmem>>) target(%dma_start3A_232 : memref<640x128xf32, #tpu.memory_space<vmem_shared>>) offsets(%dma_start3A_229 : memref<128xi32, #tpu.memory_space<vmem>>) semaphore(%dma_start3A_234 : memref<!tpu.dma_semaphore, #tpu.memory_space<semaphore_mem>>) {add = true}
        %cond3A_235 = arith.constant 0 : i32
        scf.yield %cond3A_235 : i32
      }
      %add3A_211 = arith.constant 1 : i32
      %add3A_212 = arith.addi %while3A_142, %add3A_211 : i32
      %jit3A_213 = arith.constant 0 : i32
      %select_n3A_214 = arith.select %and3A, %jit3A_213, %add3A_212 : i32
      %eq3A_215 = arith.constant 0 : i32
      %eq3A_216 = arith.cmpi eq, %rem3A_145, %eq3A_215 : i32
      %jit3A_217 = arith.constant 0 : i32
      %select_n3A_218 = arith.select %eq3A_216, %select_n3A_214, %jit3A_217 : i32
      %eq3A_219 = arith.constant 0 : i32
      %eq3A_220 = arith.cmpi eq, %rem3A_145, %eq3A_219 : i32
      %jit3A_221 = arith.constant 0 : i32
      %select_n3A_222 = arith.select %eq3A_220, %jit3A_221, %select_n3A_214 : i32
      scf.yield %select_n3A_218, %select_n3A_222 : i32, i32
    }
    %gt3A = arith.constant 0 : i32
    %gt3A_127 = arith.cmpi sgt, %while3A_126#0, %gt3A : i32
    %convert_element_type3A = arith.extui %gt3A_127 : i1 to i32
    %cond3A = arith.constant 0 : i32
    %cond3A_128 = arith.cmpi ne, %convert_element_type3A, %cond3A : i32
    scf.if %cond3A_128 {
      %sub3A_142 = arith.constant 1 : i32
      %sub3A_143 = arith.subi %while3A_126#0, %sub3A_142 : i32
      %dma_wait3A = arith.constant 0 : i32
      %dma_wait3A_144 = arith.constant 0 : i32
      %dma_wait3A_145 = arith.constant 0 : i32
      %dma_wait3A_146 = arith.constant 0 : i32
      %dma_wait3A_147 = tpu.memref_slice %arg8[%dma_wait3A, %dma_wait3A_145, %dma_wait3A_146] : memref<2x128x128xf32, #tpu.memory_space<vmem>> -> memref<1x128x128xf32, #tpu.memory_space<vmem>>
      %dma_wait3A_148 = tpu.memref_squeeze %dma_wait3A_147 : memref<1x128x128xf32, #tpu.memory_space<vmem>> -> memref<128x128xf32, #tpu.memory_space<vmem>>
      %dma_wait3A_149 = arith.constant 0 : i32
      %dma_wait3A_150 = tpu.memref_slice %arg7[%sub3A_143, %dma_wait3A_149] : memref<25x128xi32, #tpu.memory_space<vmem>> -> memref<1x128xi32, #tpu.memory_space<vmem>>
      %dma_wait3A_151 = tpu.memref_squeeze %dma_wait3A_150 : memref<1x128xi32, #tpu.memory_space<vmem>> -> memref<128xi32, #tpu.memory_space<vmem>>
      %dma_wait3A_152 = arith.constant 0 : i32
      %dma_wait3A_153 = arith.constant 0 : i32
      %dma_wait3A_154 = tpu.memref_slice %arg10[%dma_wait3A_152, %dma_wait3A_153] : memref<640x128xf32, #tpu.memory_space<vmem_shared>> -> memref<640x128xf32, #tpu.memory_space<vmem_shared>>
      %dma_wait3A_155 = tpu.memref_slice %arg15[%dma_wait3A_144] : memref<2x!tpu.dma_semaphore, #tpu.memory_space<semaphore_mem>> -> memref<1x!tpu.dma_semaphore, #tpu.memory_space<semaphore_mem>>
      %dma_wait3A_156 = tpu.memref_squeeze %dma_wait3A_155 : memref<1x!tpu.dma_semaphore, #tpu.memory_space<semaphore_mem>> -> memref<!tpu.dma_semaphore, #tpu.memory_space<semaphore_mem>>
      tpu.wait_indirect_dma semaphore(%dma_wait3A_156 : memref<!tpu.dma_semaphore, #tpu.memory_space<semaphore_mem>>) src(%dma_wait3A_148 : memref<128x128xf32, #tpu.memory_space<vmem>>) dst(%dma_wait3A_154 : memref<640x128xf32, #tpu.memory_space<vmem_shared>>)
    } else {
    }
    %gt3A_129 = arith.constant 0 : i32
    %gt3A_130 = arith.cmpi sgt, %while3A_126#1, %gt3A_129 : i32
    %convert_element_type3A_131 = arith.extui %gt3A_130 : i1 to i32
    %cond3A_132 = arith.constant 0 : i32
    %cond3A_133 = arith.cmpi ne, %convert_element_type3A_131, %cond3A_132 : i32
    scf.if %cond3A_133 {
      %sub3A_142 = arith.constant 1 : i32
      %sub3A_143 = arith.subi %while3A_126#1, %sub3A_142 : i32
      %dma_wait3A = arith.constant 1 : i32
      %dma_wait3A_144 = arith.constant 1 : i32
      %dma_wait3A_145 = arith.constant 0 : i32
      %dma_wait3A_146 = arith.constant 0 : i32
      %dma_wait3A_147 = tpu.memref_slice %arg8[%dma_wait3A, %dma_wait3A_145, %dma_wait3A_146] : memref<2x128x128xf32, #tpu.memory_space<vmem>> -> memref<1x128x128xf32, #tpu.memory_space<vmem>>
      %dma_wait3A_148 = tpu.memref_squeeze %dma_wait3A_147 : memref<1x128x128xf32, #tpu.memory_space<vmem>> -> memref<128x128xf32, #tpu.memory_space<vmem>>
      %dma_wait3A_149 = arith.constant 0 : i32
      %dma_wait3A_150 = tpu.memref_slice %arg7[%sub3A_143, %dma_wait3A_149] : memref<25x128xi32, #tpu.memory_space<vmem>> -> memref<1x128xi32, #tpu.memory_space<vmem>>
      %dma_wait3A_151 = tpu.memref_squeeze %dma_wait3A_150 : memref<1x128xi32, #tpu.memory_space<vmem>> -> memref<128xi32, #tpu.memory_space<vmem>>
      %dma_wait3A_152 = arith.constant 0 : i32
      %dma_wait3A_153 = arith.constant 0 : i32
      %dma_wait3A_154 = tpu.memref_slice %arg10[%dma_wait3A_152, %dma_wait3A_153] : memref<640x128xf32, #tpu.memory_space<vmem_shared>> -> memref<640x128xf32, #tpu.memory_space<vmem_shared>>
      %dma_wait3A_155 = tpu.memref_slice %arg15[%dma_wait3A_144] : memref<2x!tpu.dma_semaphore, #tpu.memory_space<semaphore_mem>> -> memref<1x!tpu.dma_semaphore, #tpu.memory_space<semaphore_mem>>
      %dma_wait3A_156 = tpu.memref_squeeze %dma_wait3A_155 : memref<1x!tpu.dma_semaphore, #tpu.memory_space<semaphore_mem>> -> memref<!tpu.dma_semaphore, #tpu.memory_space<semaphore_mem>>
      tpu.wait_indirect_dma semaphore(%dma_wait3A_156 : memref<!tpu.dma_semaphore, #tpu.memory_space<semaphore_mem>>) src(%dma_wait3A_148 : memref<128x128xf32, #tpu.memory_space<vmem>>) dst(%dma_wait3A_154 : memref<640x128xf32, #tpu.memory_space<vmem_shared>>)
    } else {
    }
    %not3A = arith.constant true
    %not3A_134 = arith.xori %ge3A_53, %not3A : i1
    %convert_element_type3A_135 = arith.extui %not3A_134 : i1 to i32
    %cond3A_136 = arith.constant 0 : i32
    %cond3A_137 = arith.cmpi ne, %convert_element_type3A_135, %cond3A_136 : i32
    scf.if %cond3A_137 {
      %run_scoped3A = arith.constant 0 : i32
      "tpu.region"() ({
        %run_scoped3A_142 = tpu.sem_alloc : memref<!tpu.dma_semaphore, #tpu.memory_space<semaphore_mem>>
        %dma_start3A_143 = arith.constant 0 : i32
        %dma_start3A_144 = tpu.memref_slice %arg12[%run_scoped3A, %dma_start3A_143] : memref<8x64xi32, #tpu.memory_space<vmem>> -> memref<1x64xi32, #tpu.memory_space<vmem>>
        %dma_start3A_145 = tpu.memref_squeeze %dma_start3A_144 : memref<1x64xi32, #tpu.memory_space<vmem>> -> memref<64xi32, #tpu.memory_space<vmem>>
        %dma_start3A_146 = arith.constant 0 : i32
        %dma_start3A_147 = arith.constant 0 : i32
        %dma_start3A_148 = tpu.memref_slice %arg10[%dma_start3A_146, %dma_start3A_147] : memref<640x128xf32, #tpu.memory_space<vmem_shared>> -> memref<640x128xf32, #tpu.memory_space<vmem_shared>>
        tpu.enqueue_indirect_dma source(%arg11 : memref<64x128xf32, #tpu.memory_space<vmem>>) target(%dma_start3A_148 : memref<640x128xf32, #tpu.memory_space<vmem_shared>>) offsets(%dma_start3A_145 : memref<64xi32, #tpu.memory_space<vmem>>) semaphore(%run_scoped3A_142 : memref<!tpu.dma_semaphore, #tpu.memory_space<semaphore_mem>>) {add = true}
        %dma_wait3A = arith.constant 0 : i32
        %dma_wait3A_149 = tpu.memref_slice %arg12[%run_scoped3A, %dma_wait3A] : memref<8x64xi32, #tpu.memory_space<vmem>> -> memref<1x64xi32, #tpu.memory_space<vmem>>
        %dma_wait3A_150 = tpu.memref_squeeze %dma_wait3A_149 : memref<1x64xi32, #tpu.memory_space<vmem>> -> memref<64xi32, #tpu.memory_space<vmem>>
        %dma_wait3A_151 = arith.constant 0 : i32
        %dma_wait3A_152 = arith.constant 0 : i32
        %dma_wait3A_153 = tpu.memref_slice %arg10[%dma_wait3A_151, %dma_wait3A_152] : memref<640x128xf32, #tpu.memory_space<vmem_shared>> -> memref<640x128xf32, #tpu.memory_space<vmem_shared>>
        tpu.wait_indirect_dma semaphore(%run_scoped3A_142 : memref<!tpu.dma_semaphore, #tpu.memory_space<semaphore_mem>>) src(%arg11 : memref<64x128xf32, #tpu.memory_space<vmem>>) dst(%dma_wait3A_153 : memref<640x128xf32, #tpu.memory_space<vmem_shared>>)
        tpu.yield
      }) : () -> ()
    } else {
    }
    %barrier3A_138 = arith.constant 0 : index
    tpu.barrier barrier_id(%barrier3A_138)
    %mul3A_139 = arith.constant 32 : i32
    %mul3A_140 = arith.muli %arg1, %mul3A_139 : i32
    %multiple_of3A_141 = tpu.assume_multiple %mul3A_140, 8 : i32
    "tpu.region"() ({
      %run_scoped3A = tpu.sem_alloc : memref<!tpu.dma_semaphore, #tpu.memory_space<semaphore_mem>>
      %dma_start3A_142 = arith.constant 0 : i32
      %dma_start3A_143 = arith.constant 0 : i32
      %dma_start3A_144 = tpu.memref_slice %arg9[%dma_start3A_142, %dma_start3A_143] : memref<40x128xf32, #tpu.memory_space<vmem>> -> memref<32x128xf32, #tpu.memory_space<vmem>>
      %dma_start3A_145 = arith.constant 0 : i32
      %dma_start3A_146 = tpu.memref_slice %arg10[%multiple_of3A_141, %dma_start3A_145] : memref<640x128xf32, #tpu.memory_space<vmem_shared>> -> memref<32x128xf32, #tpu.memory_space<vmem_shared>>
      %dma_start3A_147 = arith.constant 0 : i32
      %dma_start3A_148 = arith.constant 0 : i32
      %dma_start3A_149 = tpu.memref_slice %arg9[%dma_start3A_147, %dma_start3A_148] : memref<40x128xf32, #tpu.memory_space<vmem>> -> memref<32x128xf32, #tpu.memory_space<vmem>>
      %dma_start3A_150 = arith.constant 0 : i32
      %dma_start3A_151 = tpu.memref_slice %arg10[%multiple_of3A_141, %dma_start3A_150] : memref<640x128xf32, #tpu.memory_space<vmem_shared>> -> memref<32x128xf32, #tpu.memory_space<vmem_shared>>
      tpu.enqueue_dma source(%dma_start3A_151 : memref<32x128xf32, #tpu.memory_space<vmem_shared>>) target(%dma_start3A_149 : memref<32x128xf32, #tpu.memory_space<vmem>>) target_semaphore(%run_scoped3A : memref<!tpu.dma_semaphore, #tpu.memory_space<semaphore_mem>>)
      %dma_wait3A = arith.constant 0 : i32
      %dma_wait3A_152 = arith.constant 0 : i32
      %dma_wait3A_153 = tpu.memref_slice %arg9[%dma_wait3A, %dma_wait3A_152] : memref<40x128xf32, #tpu.memory_space<vmem>> -> memref<32x128xf32, #tpu.memory_space<vmem>>
      %dma_wait3A_154 = arith.constant 0 : i32
      %dma_wait3A_155 = tpu.memref_slice %arg10[%multiple_of3A_141, %dma_wait3A_154] : memref<640x128xf32, #tpu.memory_space<vmem_shared>> -> memref<32x128xf32, #tpu.memory_space<vmem_shared>>
      %dma_wait3A_156 = arith.constant 0 : i32
      %dma_wait3A_157 = arith.constant 0 : i32
      %dma_wait3A_158 = tpu.memref_slice %arg9[%dma_wait3A_156, %dma_wait3A_157] : memref<40x128xf32, #tpu.memory_space<vmem>> -> memref<32x128xf32, #tpu.memory_space<vmem>>
      %dma_wait3A_159 = arith.constant 0 : i32
      %dma_wait3A_160 = tpu.memref_slice %arg10[%multiple_of3A_141, %dma_wait3A_159] : memref<640x128xf32, #tpu.memory_space<vmem_shared>> -> memref<32x128xf32, #tpu.memory_space<vmem_shared>>
      tpu.wait_dma2 semaphore(%run_scoped3A : memref<!tpu.dma_semaphore, #tpu.memory_space<semaphore_mem>>) src(%dma_wait3A_160 : memref<32x128xf32, #tpu.memory_space<vmem_shared>>) dst(%dma_wait3A_158 : memref<32x128xf32, #tpu.memory_space<vmem>>)
      tpu.yield
    }) : () -> ()
    "tpu.region"() ({
      %run_scoped3A = tpu.sem_alloc : memref<!tpu.dma_semaphore, #tpu.memory_space<semaphore_mem>>
      %dma_start3A_142 = arith.constant 0 : i32
      %dma_start3A_143 = arith.constant 0 : i32
      %dma_start3A_144 = tpu.memref_slice %arg9[%dma_start3A_142, %dma_start3A_143] : memref<40x128xf32, #tpu.memory_space<vmem>> -> memref<32x128xf32, #tpu.memory_space<vmem>>
      %dma_start3A_145 = arith.constant 0 : i32
      %dma_start3A_146 = arith.constant 0 : i32
      %dma_start3A_147 = tpu.memref_slice %arg6[%arg0, %dma_start3A_145, %dma_start3A_146] : memref<2x512x128xf32, #tpu.memory_space<hbm>> -> memref<1x512x128xf32, #tpu.memory_space<hbm>>
      %dma_start3A_148 = tpu.memref_squeeze %dma_start3A_147 : memref<1x512x128xf32, #tpu.memory_space<hbm>> -> memref<512x128xf32, #tpu.memory_space<hbm>>
      %dma_start3A_149 = arith.constant 0 : i32
      %dma_start3A_150 = tpu.memref_slice %dma_start3A_148[%multiple_of3A_141, %dma_start3A_149] : memref<512x128xf32, #tpu.memory_space<hbm>> -> memref<32x128xf32, #tpu.memory_space<hbm>>
      %dma_start3A_151 = arith.constant 0 : i32
      %dma_start3A_152 = arith.constant 0 : i32
      %dma_start3A_153 = tpu.memref_slice %arg6[%arg0, %dma_start3A_151, %dma_start3A_152] : memref<2x512x128xf32, #tpu.memory_space<hbm>> -> memref<1x512x128xf32, #tpu.memory_space<hbm>>
      %dma_start3A_154 = tpu.memref_squeeze %dma_start3A_153 : memref<1x512x128xf32, #tpu.memory_space<hbm>> -> memref<512x128xf32, #tpu.memory_space<hbm>>
      %dma_start3A_155 = arith.constant 0 : i32
      %dma_start3A_156 = tpu.memref_slice %dma_start3A_154[%multiple_of3A_141, %dma_start3A_155] : memref<512x128xf32, #tpu.memory_space<hbm>> -> memref<32x128xf32, #tpu.memory_space<hbm>>
      %dma_start3A_157 = arith.constant 0 : i32
      %dma_start3A_158 = arith.constant 0 : i32
      %dma_start3A_159 = tpu.memref_slice %arg9[%dma_start3A_157, %dma_start3A_158] : memref<40x128xf32, #tpu.memory_space<vmem>> -> memref<32x128xf32, #tpu.memory_space<vmem>>
      tpu.enqueue_dma source(%dma_start3A_159 : memref<32x128xf32, #tpu.memory_space<vmem>>) target(%dma_start3A_156 : memref<32x128xf32, #tpu.memory_space<hbm>>) target_semaphore(%run_scoped3A : memref<!tpu.dma_semaphore, #tpu.memory_space<semaphore_mem>>)
      %dma_wait3A = arith.constant 0 : i32
      %dma_wait3A_160 = arith.constant 0 : i32
      %dma_wait3A_161 = tpu.memref_slice %arg9[%dma_wait3A, %dma_wait3A_160] : memref<40x128xf32, #tpu.memory_space<vmem>> -> memref<32x128xf32, #tpu.memory_space<vmem>>
      %dma_wait3A_162 = arith.constant 0 : i32
      %dma_wait3A_163 = arith.constant 0 : i32
      %dma_wait3A_164 = tpu.memref_slice %arg6[%arg0, %dma_wait3A_162, %dma_wait3A_163] : memref<2x512x128xf32, #tpu.memory_space<hbm>> -> memref<1x512x128xf32, #tpu.memory_space<hbm>>
      %dma_wait3A_165 = tpu.memref_squeeze %dma_wait3A_164 : memref<1x512x128xf32, #tpu.memory_space<hbm>> -> memref<512x128xf32, #tpu.memory_space<hbm>>
      %dma_wait3A_166 = arith.constant 0 : i32
      %dma_wait3A_167 = tpu.memref_slice %dma_wait3A_165[%multiple_of3A_141, %dma_wait3A_166] : memref<512x128xf32, #tpu.memory_space<hbm>> -> memref<32x128xf32, #tpu.memory_space<hbm>>
      %dma_wait3A_168 = arith.constant 0 : i32
      %dma_wait3A_169 = arith.constant 0 : i32
      %dma_wait3A_170 = tpu.memref_slice %arg6[%arg0, %dma_wait3A_168, %dma_wait3A_169] : memref<2x512x128xf32, #tpu.memory_space<hbm>> -> memref<1x512x128xf32, #tpu.memory_space<hbm>>
      %dma_wait3A_171 = tpu.memref_squeeze %dma_wait3A_170 : memref<1x512x128xf32, #tpu.memory_space<hbm>> -> memref<512x128xf32, #tpu.memory_space<hbm>>
      %dma_wait3A_172 = arith.constant 0 : i32
      %dma_wait3A_173 = tpu.memref_slice %dma_wait3A_171[%multiple_of3A_141, %dma_wait3A_172] : memref<512x128xf32, #tpu.memory_space<hbm>> -> memref<32x128xf32, #tpu.memory_space<hbm>>
      %dma_wait3A_174 = arith.constant 0 : i32
      %dma_wait3A_175 = arith.constant 0 : i32
      %dma_wait3A_176 = tpu.memref_slice %arg9[%dma_wait3A_174, %dma_wait3A_175] : memref<40x128xf32, #tpu.memory_space<vmem>> -> memref<32x128xf32, #tpu.memory_space<vmem>>
      tpu.wait_dma2 semaphore(%run_scoped3A : memref<!tpu.dma_semaphore, #tpu.memory_space<semaphore_mem>>) src(%dma_wait3A_176 : memref<32x128xf32, #tpu.memory_space<vmem>>) dst(%dma_wait3A_173 : memref<32x128xf32, #tpu.memory_space<hbm>>)
      tpu.yield
    }) : () -> ()
    return
  }
}

module attributes {stable_mosaic.version = 14 : i64} {
  func.func @_tc_finish_body(%arg0: memref<2x512x128xf32, #tpu.memory_space<vmem>>, %arg1: memref<128x128xf32, #tpu.memory_space<vmem>>, %arg2: memref<1x128xf32, #tpu.memory_space<vmem>>, %arg3: memref<512x128xf32, #tpu.memory_space<vmem>>) attributes {dimension_semantics = [], scalar_prefetch = 0 : i64, scratch_operands = 0 : i64, tpu.core_type = #tpu.core_type<tc>} {
    %get3A = arith.constant 0 : index
    %get3A_0 = arith.constant 0 : index
    %get3A_1 = arith.constant 0 : index
    %get3A_2 = vector.load %arg0[%get3A, %get3A_0, %get3A_1] : memref<2x512x128xf32, #tpu.memory_space<vmem>>, vector<1x512x128xf32>
    %get3A_3 = vector.shape_cast %get3A_2 : vector<1x512x128xf32> to vector<512x128xf32>
    %get3A_4 = arith.constant 1 : index
    %get3A_5 = arith.constant 0 : index
    %get3A_6 = arith.constant 0 : index
    %get3A_7 = vector.load %arg0[%get3A_4, %get3A_5, %get3A_6] : memref<2x512x128xf32, #tpu.memory_space<vmem>>, vector<1x512x128xf32>
    %get3A_8 = vector.shape_cast %get3A_7 : vector<1x512x128xf32> to vector<512x128xf32>
    %add3A = arith.addf %get3A_3, %get3A_8 : vector<512x128xf32>
    %get3A_9 = arith.constant 0 : index
    %get3A_10 = arith.constant 0 : index
    %get3A_11 = vector.load %arg1[%get3A_9, %get3A_10] : memref<128x128xf32, #tpu.memory_space<vmem>>, vector<128x128xf32>
    %dot_general3A = arith.constant dense<0.000000e+00> : vector<512x128xf32>
    %dot_general3A_12 = tpu.matmul %add3A, %get3A_11, %dot_general3A {dimension_numbers = #tpu.dot_dimension_numbers<[1], [1], [0], [0], [0, 0, 1, 0], [], []>, transpose_lhs_hint = false} : vector<512x128xf32>, vector<128x128xf32>, vector<512x128xf32> -> vector<512x128xf32>
    %get3A_13 = arith.constant 0 : index
    %get3A_14 = arith.constant 0 : index
    %get3A_15 = vector.load %arg2[%get3A_13, %get3A_14] : memref<1x128xf32, #tpu.memory_space<vmem>>, vector<1x128xf32>
    %add3A_16 = vector.broadcast %get3A_15 : vector<1x128xf32> to vector<512x128xf32>
    %add3A_17 = arith.addf %dot_general3A_12, %add3A_16 : vector<512x128xf32>
    %swap3A = arith.constant 0 : index
    %swap3A_18 = arith.constant 0 : index
    %swap3A_19 = vector.load %arg3[%swap3A, %swap3A_18] : memref<512x128xf32, #tpu.memory_space<vmem>>, vector<512x128xf32>
    tpu.vector_store %arg3[%swap3A, %swap3A_18], %add3A_17 {strides = array<i32>} : memref<512x128xf32, #tpu.memory_space<vmem>>, vector<512x128xf32>,
    return
  }
}

</mosaic_0001>

<sc_bundles>
// kernel: kernel.4.cloned.1.call-start
scs
__scs_entry_jumppad:
0x0: {  	(pc) =	sbr.rel $0x88, $3  }
0x1: {  	(tag) =	ssettag $0x0;
	lr =	simm.s32 $0x1  }
0x2: {  	[smem:$0x3F9D] =	sst lr;
	_ =	strace $0xD0000000  }
0x3: {  	_ = 	snop  }
0x4: {  	_ = 	snop  }
0x5: {  	_ = 	snop  }
0x6: {  	_ = 	snop  }
0x7: {  	_ = 	snop  }
__scs_overlays_trampoline_lowered:
0x8: {  	[smem:$0x3FAC] =	sst s0  }
0x9: {  	[smem:$0x3FAD] =	sst s1  }
0xa: {  	[smem:$0x3FAE] =	sst s2  }
0xb: {  	[smem:$0x3FAF] =	sst s3  }
0xc: {  	[smem:$0x3FB0] =	sst s4  }
0xd: {  	[smem:$0x3FB1] =	sst s5  }
0xe: {  	[smem:$0x3FB2] =	sst s6  }
0xf: {  	[smem:$0x3FB3] =	sst s7  }
0x10: {  	[smem:$0x3FB4] =	sst s8  }
0x11: {  	[smem:$0x3FB5] =	sst s9;
	s0 =	simm.s32 @!p0 $0x0  }
0x12: {  	s1 =	sld [smem:$0x3F9B];
	s0 =	simm.s32 @p0 $0x1  }
0x13: {  	[smem:$0x3FB6] =	sst s0;
	s0 =	simm.s32 @!p1 $0x0  }
0x14: {  	s2 =	sld [smem:$0x3F9A];
	s0 =	simm.s32 @p1 $0x1  }
0x15: {  	[smem:$0x3FB7] =	sst s0;
	s0 =	simm.s32 @!p2 $0x0  }
0x16: {  	s3 =	sld [smem:$0x3FDB];
	s0 =	simm.s32 @p2 $0x1  }
0x17: {  	s4 =	simm.s32 $0x1BF5;
	[smem:$0x3FB9] =	sst s0  }
0x18: {  	s0 =	sld [smem:$0x3F9C];
	_ =	swait.ge [sflag:s4], $0x0  }
0x19: {  	s7 =	sld [smem:$0x3F9D]  }
0x1a: {  	s8 =	sadd.s32 $0xFFFFE003, lr  }
0x1b: {  	s9 =	sadd.s32 $0xFFFFFEF7, lr;
	s5 =	simm.s32 $0xFFFFFFFF;
	p2 =	slt.u32 s8, $0xFFFFF086  }
0x1c: {  	p1 =	slt.u32 s9, $0xF7A;
	s5 =	simm.s32 @!p2 $0x0  }
0x1d: {  	s5 =	simm.s32 @p1 $0x1;
	p0 =	seq.s32 s7, s2  }
0x1e: {  	s7 =	smul.u32 @!p0 $0xF7A, s2;
	p2 =	seq.s32 @!p0 s5, $0x0  }
0x1f: {  	s9 =	smul.u32 $0xF7A, s1;
	s8 =	simm.s32 @!p0 $0x1BF5;
	p2 =	por !p2, p0  }
0x20: {  	[sflag:s8] =	ssyncset.s32 @!p0 $0xFFFFF086;
	s6 =	sadd.s32 @!p0 s3, s7;
	s7 =	simm.s32 @!p0 $0x108  }
0x21: {  	s3 =	sadd.s32 s3, s9;
	s6 =	sadd.s32 @!p0 $0x88, s6;
	s7 =	simm.s32 @p2 $0x1082  }
0x22: {  	[simem:s7], [sflag:s8] =	dma.local @!p0 [hbm:s6], $0xF7A  }
0x23: {  	s9 =	sor.u32 $0xD0000000, s2;
	s6 =	simm.s32 $0x108;
	_ =	swait.ge @!p0 [sflag:s8], $0x0  }
0x24: {  	s3 =	sadd.s32 $0x88, s3;
	s6 =	simm.s32 @!p1 $0x1082;
	[sflag:s4] =	ssyncset.s32 $0xFFFFF086  }
0x25: {  	[simem:s6], [sflag:s4] =	dma.local [hbm:s3], $0xF7A  }
0x26: {  	[smem:$0x3F9D] =	sst s1;
	(tag) =	ssettag s2;
	_ =	strace s9  }
0x27: {  	s1 =	sld [smem:$0x3FAD]  }
0x28: {  	s2 =	sld [smem:$0x3FAE]  }
0x29: {  	s4 =	sld [smem:$0x3FB0]  }
0x2a: {  	p0 =	seq.s32 s5, $0x0;
	s5 =	sld [smem:$0x3FB1]  }
0x2b: {  	s6 =	sld [smem:$0x3FB2]  }
0x2c: {  	s7 =	sld [smem:$0x3FB3]  }
0x2d: {  	s3 =	simm.s32 $0x108;
	s8 =	sld [smem:$0x3FB4]  }
0x2e: {  	s3 =	simm.s32 @!p0 $0x1082;
	s9 =	sld [smem:$0x3FB5]  }
0x2f: {  	lr =	sadd.s32 s0, s3;
	s0 =	sld [smem:$0x3FAC]  }
0x30: {  	s3 =	sld [smem:$0x3FAF]  }
0x31: {  	[smem:$0x3FB8] =	sst s10  }
0x32: {  	s10 =	sld [smem:$0x3FB6];
	_ =	sdelay $0x3  }
0x33: {  	p0 =	seq.s32 s10, $0x1;
	s10 =	sld [smem:$0x3FB8];
	_ =	sdelay $0x3  }
0x34: {  	[smem:$0x3FB8] =	sst s10  }
0x35: {  	s10 =	sld [smem:$0x3FB7];
	_ =	sdelay $0x3  }
0x36: {  	p1 =	seq.s32 s10, $0x1;
	s10 =	sld [smem:$0x3FB8];
	_ =	sdelay $0x3  }
0x37: {  	[smem:$0x3FB8] =	sst s10  }
0x38: {  	s10 =	sld [smem:$0x3FB9]  }
0x39: {  	_ = 	snop;
	(pc) =	sbr.ind lr, $3  }
0x3a: {  	_ = 	snop  }
0x3b: {  	_ = 	snop  }
0x3c: {  	p2 =	seq.s32 s10, $0x1;
	s10 =	sld [smem:$0x3FB8]  }
0x3d: {  	_ =	shalt  }
0x3e: {  	_ =	shalt  }
0x3f: {  	_ =	shalt  }
0x40: {  	_ =	shalt  }
0x41: {  	_ =	shalt  }
0x42: {  	_ =	shalt  }
0x43: {  	_ =	shalt  }
0x44: {  	_ =	shalt  }
0x45: {  	_ =	shalt  }
0x46: {  	_ =	shalt  }
0x47: {  	_ =	shalt  }
0x48: {  	_ =	shalt  }
0x49: {  	_ =	shalt  }
0x4a: {  	_ =	shalt  }
0x4b: {  	_ =	shalt  }
0x4c: {  	_ =	shalt  }
0x4d: {  	_ =	shalt  }
0x4e: {  	_ =	shalt  }
0x4f: {  	_ =	shalt  }
0x50: {  	_ =	shalt  }
0x51: {  	_ =	shalt  }
0x52: {  	_ =	shalt  }
0x53: {  	_ =	shalt  }
0x54: {  	_ =	shalt  }
0x55: {  	_ =	shalt  }
0x56: {  	_ =	shalt  }
0x57: {  	_ =	shalt  }
0x58: {  	_ =	shalt  }
0x59: {  	_ =	shalt  }
0x5a: {  	_ =	shalt  }
0x5b: {  	_ =	shalt  }
0x5c: {  	_ =	shalt  }
0x5d: {  	_ =	shalt  }
0x5e: {  	_ =	shalt  }
0x5f: {  	_ =	shalt  }
0x60: {  	_ =	shalt  }
0x61: {  	_ =	shalt  }
0x62: {  	_ =	shalt  }
0x63: {  	_ =	shalt  }
0x64: {  	_ =	shalt  }
0x65: {  	_ =	shalt  }
0x66: {  	_ =	shalt  }
0x67: {  	_ =	shalt  }
0x68: {  	_ =	shalt  }
0x69: {  	_ =	shalt  }
0x6a: {  	_ =	shalt  }
0x6b: {  	_ =	shalt  }
0x6c: {  	_ =	shalt  }
0x6d: {  	_ =	shalt  }
0x6e: {  	_ =	shalt  }
0x6f: {  	_ =	shalt  }
0x70: {  	_ =	shalt  }
0x71: {  	_ =	shalt  }
0x72: {  	_ =	shalt  }
0x73: {  	_ =	shalt  }
0x74: {  	_ =	shalt  }
0x75: {  	_ =	shalt  }
0x76: {  	_ =	shalt  }
0x77: {  	_ =	shalt  }
0x78: {  	_ =	shalt  }
0x79: {  	_ =	shalt  }
0x7a: {  	_ =	shalt  }
0x7b: {  	_ =	shalt  }
0x7c: {  	_ =	shalt  }
0x7d: {  	_ =	shalt  }
0x7e: {  	_ =	shalt  }
0x7f: {  	_ =	shalt  }
0x80: {  	_ =	shalt  }
0x81: {  	_ =	shalt  }
0x82: {  	_ =	shalt  }
0x83: {  	_ =	shalt  }
0x84: {  	_ =	shalt  }
0x85: {  	_ =	shalt  }
0x86: {  	_ =	shalt  }
0x87: {  	_ =	shalt  }
.Lfunc_end0:
.L_simem_size_0:
called_computation_lowered:
.L_overlay_start_0:
0x88: {  	s2 =	sld [smem:$0x3FD9]  }
0x89: {  	s3 =	sld [smem:$0x3FFE];
	_ =	sdelay $0x1  }
0x8a: {  	s1 =	srdreg.scid  }
0x8b: {  	s0 =	sand.u32 $0x1, s1  }
0x8c: {  	s17 =	sshll.u32 s0, $0xA;
	s2 =	sadd.s32 s3, s2  }
0x8d: {  	s2 =	sadd.s32 s2, s17  }
0x8e: {  	[smem:$0x3FC4] =	sst s2  }
0x8f: {  	_ = 	snop  }
0x90: {  	s2 =	sld [smem:$0x3FC9]  }
0x91: {  	s18 =	sld [smem:$0x3FC8]  }
0x92: {  	s4 =	sld [smem:$0x3FD0];
	(tm) =	ssettm $0x1  }
0x93: {  	s5 =	sld [smem:$0x3FFB];
	_ =	sdelay $0x3  }
0x94: {  	_ =	strace s5  }
0x95: {  	s5 =	sld [smem:$0x3FFC];
	_ =	sdelay $0x3  }
0x96: {  	_ =	strace s5  }
0x97: {  	s5 =	sld [smem:$0x3FFD];
	_ =	sdelay $0x3  }
0x98: {  	_ =	strace s5  }
0x99: {  	_ =	strace $0x8FFFFFFF  }
0x9a: {  	s19 =	sld [smem:$0x3FDB];
	_ =	sdelay $0x1  }
0x9b: {  	s6 =	simm.s32 $_scs_section_size  }
0x9c: {  	s7 =	simm.s32 $_size__tile_overlayer_lowered;
	s8 =	simm.s32 $_tile_overlayer_lowered  }
0x9d: {  	s22 =	simm.s32 $0x1BFF;
	s21 =	sshll.u32 s8, $0x1;
	s5 =	sadd.s32 s6, s19  }
0x9e: {  	s9 =	simm.s32 $0x0;
	s20 =	sshll.u32 s7, $0x1;
	s7 =	sadd.s32 s21, s5  }
0x9f: {  	[timem:s9], [sflag:s22] =	dma.local [hbm:s7], s20  }
0xa0: {  	_ =	swait.ge [sflag:s22], s20  }
0xa1: {  	s6 =	ssub.s32 $0x0, s20;
	[sflag:s22] =	ssyncset.done $0x0  }
0xa2: {  	[sflag:s22] =	ssyncadd.s32 s6;
	_ =	sdelay $0x1  }
0xa3: {  	s23 =	simm.s32 $0x1B8B  }
0xa4: {  	_ =	swait.ge [sflag:s23], $0x1  }
0xa5: {  	[sflag:s23] =	ssyncset.done $0x0  }
0xa6: {  	s25 =	simm.s32 $0x1B8E;
	s24 =	sld [smem:$0x3FFE];
	[sflag:s23] =	ssyncadd.s32 $0xFFFFFFFF  }
0xa7: {  	s26 =	simm.s32 $execute0_lowered;
	[smem:$0x3FD2] =	sst s25  }
0xa8: {  	s7 =	sshll.u32 s26, $0x1;
	_ =	strace $0x80000046;
	[dreg:$0x1] =	wrdreg $0xFFFFFFFF  }
0xa9: {  	s28 =	simm.s32 $_size_execute0_lowered;
	s5 =	sadd.s32 s5, s7;
	[dreg:$0x0] =	wrdreg $0x0  }
0xaa: {  	s7 =	sshll.u32 s28, $0x1;
	[dreg:$0x2] =	wrdreg s5  }
0xab: {  	[dreg:$0x3] =	wrdreg s7  }
0xac: {  	[dreg:$0x4] =	wrdreg $0xC0  }
0xad: {  	_ =	task [dreg:s9], $0x5FFFF  }
0xae: {  	[dreg:$0x1] =	wrdreg $0xFFFFFFFF  }
0xaf: {  	[dreg:$0x0] =	wrdreg $0x60  }
0xb0: {  	[dreg:$0x2] =	wrdreg s18  }
0xb1: {  	[dreg:$0x3] =	wrdreg s2  }
0xb2: {  	[dreg:$0x4] =	wrdreg s4  }
0xb3: {  	[dreg:$0x5] =	wrdreg s24  }
0xb4: {  	[dreg:$0x6] =	wrdreg $0xA4000  }
0xb5: {  	[dreg:$0x7] =	wrdreg $0x9  }
0xb6: {  	_ =	task.clear_ibuf [dreg:s9], $0x8FFFF;
	_ =	strace $0x90000046  }
0xb7: {  	s29 =	simm.s32 $0x9;
	_ =	strace $0x80000048  }
0xb8: {  	_ =	swait.ge [sflag:s29], $0x1  }
0xb9: {  	[sflag:s29] =	ssyncadd.s32 $0xFFFFFFFF  }
0xba: {  	_ =	strace $0x90000048  }
0xbb: {  	_ =	sfence  }
0xbc: {  	s30 =	sld [smem:$0x0];
	_ =	sdelay $0x2  }
0xbd: {  	s31 =	sshll.u32 s1, $0xD;
	s1 =	sshrl.u32 s1, $0x2  }
0xbe: {  	s3 =	sand.u32 $0x4000, s31;
	s1 =	sadd.s32 s1, s30  }
0xbf: {  	s0 =	sor.u32 s3, s0;
	s1 =	sshll.u32 s1, $0x11  }
0xc0: {  	s0 =	sor.u32 s1, s0  }
0xc1: {  	s0 =	sadd.s32 $0x8F2B, s0  }
0xc2: {  	[sflag:s0] =	ssyncadd.remote.s32 $0x1  }
0xc3: {  	_ =	sfence.sel $0xFFFF  }
0xc4: {  	[dreg:$0x0] =	wrdreg $0xFFFFFFFF;
	(pc) =	sbr.abs _section_cstart, $3  }
0xc5: {  	[dreg:$0x1] =	wrdreg $0xFFFFFFFF  }
0xc6: {  	_ =	task.clear_ibuf [dreg:s9], $0x2FFFF;
	_ =	strace $0x9FFFFFFF  }
0xc7: {  	(tm) =	ssettm $0x7FFFFFFF  }
tec
execute0_lowered:
.L_overlay_start_1:
0x0: {  	(tag) =	ssettag $0x1  }
0x1: {  	s0 =	rddreg [dreg:$0x0]  }
0x2: {  	s1 =	rddreg [dreg:$0x1]  }
0x3: {  	s2 =	rddreg [dreg:$0x3]  }
0x4: {  	s4 =	rddreg [dreg:$0x4]  }
0x5: {  	s31 =	simm.s32 $0x0;
	s3 =	srdreg.scid;
	s5 =	stileid.u32  }
0x6: {  	s19 =	simm.s32 $0x9000;
	s20 =	simm.s32 $0x6;
	s23 =	simm.s32 $0x80  }
0x7: {  	s24 =	simm.s32 $0x0;
	[smem:$0x7FF] =	sst s31;
	s3 =	sand.u32 $0x1, s3  }
0x8: {  	s7 =	sshll.u32 s5, $0x1;
	s6 =	sadd.s32 $0xA00, s2;
	s12 =	smul.u32 $0x5000, s5  }
0x9: {  	p0 =	slt.u32 s5, $0x7;
	s16 =	smul.u32 $0x30, s5;
	s13 =	sshll.u32 s5, $0xC  }
0xa: {  	s22 =	sshll.u32 s5, $0x9;
	_ =	strace $0x80000047;
	s7 =	sor.u32 s3, s7  }
0xb: {  	s8 =	sshll.u32 s3, $0xD;
	s9 =	ssub.s32 $0x2, s3;
	s3 =	smul.u32 $0x18, s3  }
0xc: {  	s13 =	sadd.s32 s13, s4;
	s10 =	smul.u32 $0x18, s7;
	s11 =	sshrl.u32 s9, $0x1  }
0xd: {  	s14 =	smin.u32 s7, $0xE;
	s2 =	sadd.s32 s8, s2;
	s8 =	simm.s32 $0x19  }
0xe: {  	s29 =	sshrl.u32 s12, $0x2;
	s15 =	ssub.s32 s9, s11;
	s8 =	simm.s32 @!p0 $0x18  }
0xf: {  	s9 =	sadd.s32 s29, s4;
	s11 =	sadd.s32 $0x30D0, s0;
	s2 =	sadd.s32 $0xC00, s2  }
.Ltmp0:
0x10: {  	s7 =	sadd.s32 s14, s10;
	s10 =	simm.s32 $0xC70;
	(pc) =	sbr.rel .LBB2_1-.Ltmp0, $4  }
0x11: {  	s14 =	sor.u32 s16, s14;
	s15 =	smax.u32 s15, $0x1;
	s16 =	sshll.u32 s8, $0x9  }
0x12: {  	s22 =	sadd.s32 s22, s2;
	s10 =	simm.s32 @!p0 $0xBF0;
	s14 =	sadd.s32 s3, s14  }
0x13: {  	v0 =	vimm.f32 $0.0e+00;
	v1 =	vlaneseq.u32;
	s30 =	sshll.u32 s7, $0xB;
	s3 =	sshll.u32 s14, $0x9;
	s18 =	sshll.u32 s14, $0x4  }
0x14: {  	v2 =	vor.u32 $0x10, v1;
	v3 =	vor.u32 $0x20, v1;
	v4 =	vor.u32 $0x30, v1;
	s12 =	sadd.s32 s1, s30;
	s17 =	sadd.s32 $0xFFF9E600, s3;
	s18 =	sadd.s32 s18, s0  }
.LBB2_20:
0x15: {  	p1 =	slt.s32 s2, $0x1  }
0x16: {  	s2 =	simm.s32 @!p1 $0x4  }
0x17: {  	_ =	swait.ge @!p1 [sflag:s2], $0x4000  }
0x18: {  	p2 =	slt.s32 s0, $0x1;
	[sflag:s2] =	ssyncset.done @!p1 $0x0  }
0x19: {  	s0 =	simm.s32 @!p2 $0x5;
	[sflag:s2] =	ssyncadd.s32 @!p1 $0xFFFFC000  }
0x1a: {  	_ =	swait.ge @!p2 [sflag:s0], $0x4000  }
0x1b: {  	s3 =	simm.s32 @!p0 $0xB800;
	[sflag:s0] =	ssyncset.done @!p2 $0x0  }
0x1c: {  	s2 =	simm.s32 @!p0 $0xD800;
	[sflag:s0] =	ssyncadd.s32 @!p2 $0xFFFFC000;
	s0 =	simm.s32 @!p0 $0x40  }
0x1d: {  	[spmem:s4] =	stream.indirect.scatter.add.f32 @!p0 [tilespmem:s3], [sflag:$0x6], $0x80, s2, s0, $0xb8;
	[tilespmem:$0xDC00] =	vst v63  }
0x1e: {  	s0 =	simm.s32 @!p0 $0x6  }
0x1f: {  	_ =	swait.ge @!p0 [sflag:s0], $0x2000  }
0x20: {  	[sflag:s0] =	ssyncset.done @!p0 $0x0  }
0x21: {  	[sflag:s0] =	ssyncadd.s32 @!p0 $0xFFFFE000  }
0x22: {  	[bflag:$0x0] =	sbarrier.arrive $0xFFFF  }
0x23: {  	[tilespmem:s19], [sflag:$0x6] =	stream.linear.gather [spmem:s13], $0x1000, $0x38;
	[tilespmem:$0xDC00] =	vst v63  }
0x24: {  	s24 =	sadd.s32 $0x1, s24;
	_ =	swait.ge [sflag:s20], $0x1000  }
0x25: {  	p0 =	sne.s32 s24, s15;
	[sflag:s20] =	ssyncset.done $0x0  }
.Ltmp1:
0x26: {  	[sflag:s20] =	ssyncadd.s32 $0xFFFFF000;
	(pc) =	sbr.rel @!p0 .LBB2_21-.Ltmp1, $4  }
0x27: {  	[hbm4b:s22+s31] =	stream.linear.scatter [tilespmem:s19], [sflag:$0x6], $0x1000, $0x38;
	[tilespmem:$0xDC00] =	vst v63  }
0x28: {  	_ =	swait.ge [sflag:s20], $0x1000  }
0x29: {  	[sflag:s20] =	ssyncset.done $0x0  }
0x2a: {  	[sflag:s20] =	ssyncadd.s32 $0xFFFFF000  }
.LBB2_1:
0x2b: {  	s0 =	rddreg [dreg:$0x2]  }
0x2c: {  	[tilespmem:s19], [sflag:$0x6] =	stream.linear.gather [hbm4b:s0+s31], $0x1400, $0x38;
	[tilespmem:$0xDC00] =	vst v63  }
0x2d: {  	_ =	swait.ge [sflag:s20], $0x1400  }
0x2e: {  	p2 =	sne.s32 s16, $0x200;
	[sflag:s20] =	ssyncset.done $0x0  }
.Ltmp2:
0x2f: {  	[sflag:s20] =	ssyncadd.s32 $0xFFFFEC00;
	(pc) =	sbr.rel @!p2 .LBB2_2-.Ltmp2, $4  }
0x30: {  	[spmem:s9] =	stream.linear.scatter [tilespmem:s19], [sflag:$0x6], $0x1400, $0x38;
	[tilespmem:$0xDC00] =	vst v63  }
0x31: {  	s29 =	sadd.s32 $0x0, s17;
	_ =	swait.ge [sflag:s20], $0x1400  }
0x32: {  	p0 =	sgt.u32 s14, $0x30C;
	s26 =	simm.s32 $0x200;
	[sflag:s20] =	ssyncset.done $0x0  }
0x33: {  	s25 =	sadd.s32 $0x1, s14;
	p1 =	por $0x0, $0x0;
	[sflag:s20] =	ssyncadd.s32 $0xFFFFEC00  }
0x34: {  	p2 =	por p0, p0  }
0x35: {  	s31 =	simm.s32 $0x400;
	p3 =	sne.s32 @p2 s29, $0x0  }
0x36: {  	p5 =	sne.s32 s16, $0x400;
	s28 =	sadd.s32 $0x10, s18;
	p4 =	por p3, !p2  }
0x37: {  	s0 =	simm.s32 @!p4 $0x0;
	s2 =	simm.s32 @!p4 $0x0;
	s3 =	simm.s32 @!p4 $0x6  }
0x38: {  	[tilespmem:s0], [sflag:$0x6] =	stream.linear.gather @!p4 [hbm4b:s6+s2], $0x80, $0x38;
	[tilespmem:$0xDC00] =	vst v63  }
.Ltmp3:
0x39: {  	s30 =	smov.u32 s18;
	_ =	swait.ge @!p4 [sflag:s3], $0x80;
	(pc) =	sbr.rel @!p5 .LBB2_4-.Ltmp3, $4  }
0x3a: {  	s29 =	sadd.s32 $0x200, s17;
	p3 =	sgt.u32 s25, $0x30C;
	[sflag:s3] =	ssyncset.done @!p4 $0x0  }
0x3b: {  	s0 =	simm.s32 @!p4 $0x60;
	[sflag:s3] =	ssyncadd.s32 @!p4 $0xFFFFFF80;
	s3 =	simm.s32 @!p2 $0x0  }
0x3c: {  	[tilespmem:s0], [sflag:$0x3] =	stream.linear.gather @!p4 [hbm4b:s11+s2], $0x20, $0x38;
	[tilespmem:$0xDC00] =	vst v63  }
0x3d: {  	s0 =	sadd.s32 $0x1, s25;
	s2 =	simm.s32 @!p2 $0x0;
	p4 =	por $0x1, $0x1  }
.LBB2_5:
0x3e: {  	[tilespmem:s3], [sflag:$0x3] =	stream.linear.gather @!p2 [hbm4b:s30+s2], $0x80, $0x38;
	[tilespmem:$0xDC00] =	vst v63  }
0x3f: {  	s2 =	smov.u32 s26;
	s26 =	smov.u32 s31  }
0x40: {  	s30 =	smov.u32 s28;
	p2 =	por p3, p3;
	p3 =	sgt.u32 s0, $0x30C  }
0x41: {  	p5 =	sne.s32 @p2 s29, $0x0;
	s29 =	sadd.s32 s31, s17;
	s31 =	sadd.s32 $0x200, s31  }
0x42: {  	p5 =	por p5, !p2;
	p6 =	sne.s32 s16, s31  }
0x43: {  	s3 =	sshra.s32 @!p5 s2, $0x2;
	s21 =	simm.s32 @!p5 $0x0;
	s5 =	simm.s32 @!p5 $0x6  }
0x44: {  	[tilespmem:s3], [sflag:$0x6] =	stream.linear.gather @!p5 [hbm4b:s6+s21], $0x80, $0x38;
	[tilespmem:$0xDC00] =	vst v63  }
.Ltmp4:
0x45: {  	s3 =	sadd.s32 @!p5 $0x60, s3;
	_ =	swait.ge @!p5 [sflag:s5], $0x80;
	(pc) =	sbr.rel @p6 .LBB2_5-.Ltmp4, $4  }
0x46: {  	[sflag:s5] =	ssyncset.done @!p5 $0x0  }
0x47: {  	s28 =	sadd.s32 $0x10, s28;
	[sflag:s5] =	ssyncadd.s32 @!p5 $0xFFFFFF80  }
0x48: {  	[tilespmem:s3], [sflag:$0x3] =	stream.linear.gather @!p5 [hbm4b:s11+s21], $0x20, $0x38;
	[tilespmem:$0xDC00] =	vst v63  }
0x49: {  	s0 =	sadd.s32 $0x1, s0;
	s3 =	sshra.s32 @!p2 s2, $0x2;
	s2 =	simm.s32 @!p2 $0x0  }
0x4a: {  	s31 =	simm.s32 $0x0  }
.LBB2_7:
0x4b: {  	p2 =	por p2, !p4  }
0x4c: {  	[tilespmem:s3], [sflag:$0x3] =	stream.linear.gather @!p2 [hbm4b:s30+s2], $0x80, $0x38;
	[tilespmem:$0xDC00] =	vst v63  }
0x4d: {  	p2 =	por p3, p3  }
0x4e: {  	p3 =	sne.s32 @p2 s29, $0x0  }
0x4f: {  	p3 =	por p3, !p2  }
0x50: {  	s0 =	sshra.s32 @!p3 s26, $0x2;
	s2 =	simm.s32 @!p3 $0x0;
	s3 =	simm.s32 @!p3 $0x6  }
0x51: {  	[tilespmem:s0], [sflag:$0x6] =	stream.linear.gather @!p3 [hbm4b:s6+s2], $0x80, $0x38;
	[tilespmem:$0xDC00] =	vst v63  }
0x52: {  	_ =	swait.ge @!p3 [sflag:s3], $0x80  }
0x53: {  	[sflag:s3] =	ssyncset.done @!p3 $0x0  }
0x54: {  	s0 =	sadd.s32 @!p3 $0x60, s0;
	[sflag:s3] =	ssyncadd.s32 @!p3 $0xFFFFFF80  }
0x55: {  	[tilespmem:s0], [sflag:$0x3] =	stream.linear.gather @!p3 [hbm4b:s11+s2], $0x20, $0x38;
	[tilespmem:$0xDC00] =	vst v63  }
0x56: {  	s0 =	sshra.s32 @!p2 s26, $0x2;
	s2 =	simm.s32 @!p2 $0x0  }
0x57: {  	[tilespmem:s0], [sflag:$0x3] =	stream.linear.gather @!p2 [hbm4b:s28+s2], $0x80, $0x38;
	[tilespmem:$0xDC00] =	vst v63  }
0x58: {  	s0 =	sadd.s32 $0xFFFFFFFF, s8  }
0x59: {  	p3 =	sne.s32 s0, $0x0  }
.Ltmp5:
0x5a: {  	_ = 	snop;
	(pc) =	sbr.rel @!p3 .LBB2_8-.Ltmp5, $3  }
0x5b: {  	_ =	sdelay $0x1  }
0x5c: {  	p2 =	sne.s32 @p0 s14, $0x30D  }
0x5d: {  	p2 =	por p2, !p0  }
0x5e: {  	s0 =	sadd.s32 $0xFFFFFFFF, s0  }
0x5f: {  	s2 =	simm.s32 @!p2 $0x3;
	p4 =	sne.s32 s0, $0x0  }
.Ltmp6:
0x60: {  	_ =	swait.ge @!p2 [sflag:s2], $0x20;
	(pc) =	sbr.rel @!p4 .LBB2_11-.Ltmp6, $4  }
0x61: {  	p3 =	por p0, p0;
	[sflag:s2] =	ssyncset.done @!p2 $0x0  }
0x62: {  	p0 =	sgt.u32 s25, $0x30C;
	s26 =	simm.s32 @!p3 $0x3;
	[sflag:s2] =	ssyncadd.s32 @!p2 $0xFFFFFFE0  }
0x63: {  	p1 =	sne.s32 @p0 s25, $0x30D;
	_ =	swait.ge @!p3 [sflag:s26], $0x80  }
0x64: {  	p2 =	por p1, !p0;
	p1 =	por $0x1, $0x1;
	[sflag:s26] =	ssyncset.done @!p3 $0x0  }
.LBB2_10:
0x65: {  	s0 =	sadd.s32 $0xFFFFFFFF, s0  }
0x66: {  	s2 =	simm.s32 @!p2 $0x3;
	[sflag:s26] =	ssyncadd.s32 @!p3 $0xFFFFFF80;
	p4 =	sne.s32 s0, $0x0  }
.Ltmp7:
0x67: {  	_ =	swait.ge @!p2 [sflag:s2], $0x20;
	(pc) =	sbr.rel @p4 .LBB2_10-.Ltmp7, $4  }
0x68: {  	s25 =	sadd.s32 $0x1, s25;
	p3 =	por p0, p0;
	[sflag:s2] =	ssyncset.done @!p2 $0x0  }
0x69: {  	p0 =	sgt.u32 s25, $0x30C;
	s26 =	simm.s32 @!p3 $0x3;
	[sflag:s2] =	ssyncadd.s32 @!p2 $0xFFFFFFE0  }
0x6a: {  	p2 =	sne.s32 @p0 s25, $0x30D;
	_ =	swait.ge @!p3 [sflag:s26], $0x80  }
0x6b: {  	p2 =	por p2, !p0;
	[sflag:s26] =	ssyncset.done @!p3 $0x0  }
.LBB2_11:
0x6c: {  	p1 =	por p3, !p1  }
0x6d: {  	s0 =	simm.s32 @!p2 $0x3;
	[sflag:s26] =	ssyncadd.s32 @!p1 $0xFFFFFF80  }
0x6e: {  	_ =	swait.ge @!p2 [sflag:s0], $0x20  }
0x6f: {  	p0 =	por p0, p0;
	[sflag:s0] =	ssyncset.done @!p2 $0x0  }
0x70: {  	[sflag:s0] =	ssyncadd.s32 @!p2 $0xFFFFFFE0;
	s0 =	simm.s32 @!p0 $0x3  }
0x71: {  	_ =	swait.ge @!p0 [sflag:s0], $0x80  }
0x72: {  	[sflag:s0] =	ssyncset.done @!p0 $0x0  }
0x73: {  	[sflag:s0] =	ssyncadd.s32 @!p0 $0xFFFFFF80  }
0x74: {  	v6 =	vld [tilespmem:$0x0]  }
0x75: {  	s2 =	simm.s32 $0x200;
	s0 =	simm.s32 $0x0;
	v5 =	vld [tilespmem:s10+$0x0]  }
.LBB2_12:
0x76: {  	p0 =	sne.s32 s2, $0x7E00;
	[tilespmem:s0+$0xB870] =	vst v0  }
0x77: {  	[tilespmem:s0+$0xB800] =	vst v0  }
0x78: {  	[tilespmem:s0+$0xB810] =	vst v0  }
.Ltmp8:
0x79: {  	[tilespmem:s0+$0xB820] =	vst v0;
	(pc) =	sbr.rel @p0 .LBB2_12-.Ltmp8, $4  }
0x7a: {  	[tilespmem:s0+$0xB830] =	vst v0  }
0x7b: {  	[tilespmem:s0+$0xB840] =	vst v0  }
0x7c: {  	[tilespmem:s0+$0xB850] =	vst v0  }
0x7d: {  	[tilespmem:s0+$0xB860] =	vst v0;
	s0 =	sshra.s32 s2, $0x2;
	s2 =	sadd.s32 $0x200, s2  }
0x7e: {  	v6 =	vxor.u32 $0x80000000, v6  }
0x7f: {  	(xrf0) =	vmin.scan.msk.u32 $0xffff, v6;
	_ =	sdelay $0x4  }
0x80: {  	v5 =	vxor.u32 $0x80000000, v5  }
0x81: {  	v6, _, _ =	vpop (xrf0);
	(xrf0) =	vmax.scan.msk.u32 $0xffff, v5  }
0x82: {  	(v2sf) =	vpush v6, $0xF;
	_ =	sdelay $0x4  }
0x83: {  	v5, _, _ =	vpop (xrf0)  }
0x84: {  	(v2sf) =	vpush v5, $0xF;
	_ =	sdelay $0x3  }
0x85: {  	[tilespmem:s0+$0xB870] =	vst v0  }
0x86: {  	[tilespmem:s0+$0xB800] =	vst v0  }
0x87: {  	[tilespmem:s0+$0xB810] =	vst v0  }
0x88: {  	[tilespmem:s0+$0xB820] =	vst v0  }
0x89: {  	[tilespmem:s0+$0xB830] =	vst v0  }
0x8a: {  	[tilespmem:s0+$0xB840] =	vst v0;
	s25 =	spop (v2sf)  }
0x8b: {  	[tilespmem:s0+$0xB850] =	vst v0;
	s2 =	sxor.u32 $0x80000000, s25  }
0x8c: {  	[tilespmem:s0+$0xB860] =	vst v0;
	v5 =	vadd.s32 s2, v1  }
0x8d: {  	[tilespmem:$0xD800] =	vst v5;
	v5 =	vadd.s32 s2, v2  }
0x8e: {  	[tilespmem:$0xD810] =	vst v5;
	v5 =	vadd.s32 s2, v3  }
0x8f: {  	[tilespmem:$0xD820] =	vst v5;
	v5 =	vadd.s32 s2, v4  }
.Ltmp9:
0x90: {  	s0 =	simm.s32 $0x0;
	s30 =	spop (v2sf);
	[tilespmem:$0xD830] =	vst v5;
	(pc) =	sbr.rel .LBB2_14-.Ltmp9, $4  }
0x91: {  	s5 =	simm.s32 $0x1000;
	s3 =	sxor.u32 $0x80000000, s30;
	[bflag:$0x0] =	sbarrier.arrive $0xFFFF  }
0x92: {  	[tilespmem:s5], [sflag:$0x1] =	stream.linear.gather [hbm4b:s12+s0], $0x4000, $0x38;
	[tilespmem:$0xDC00] =	vst v63  }
0x93: {  	p1 =	por $0x0, $0x0;
	s2 =	ssub.s32 s3, s2  }
0x94: {  	s26 =	simm.s32 $0x0;
	p0 =	sgt.s32 s2, $0x3F;
	s2 =	simm.s32 $0x0  }
.LBB2_18:
0x95: {  	s2 =	sshll.u32 s29, $0xE  }
0x96: {  	s3 =	sor.u32 $0x4, s29;
	s2 =	sor.u32 $0x1000, s2  }
0x97: {  	[spmem:s4] =	stream.indirect.scatter.add.f32 [tilespmem:s2], [sflag:s3], $0x80, s0, s23, $0xb8;
	[tilespmem:$0xDC00] =	vst v63  }
0x98: {  	s0 =	smov.u32 s26  }
.LBB2_19:
0x99: {  	p3 =	sne.s32 s26, s8  }
.Ltmp10:
0x9a: {  	_ = 	snop;
	(pc) =	sbr.rel @!p3 .LBB2_20-.Ltmp10, $3  }
0x9b: {  	_ =	sdelay $0x1  }
0x9c: {  	s2 =	smov.u32 s0  }
0x9d: {  	s0 =	simm.s32 @p2 $0x0;
	p1 =	por !p1, !p1;
	s2 =	simm.s32 @!p2 $0x0  }
.LBB2_14:
0x9e: {  	s29 =	sand.u32 $0x1, s26  }
0x9f: {  	s3 =	smov.u32 s26;
	s26 =	sadd.s32 $0x1, s26;
	p2 =	seq.s32 s29, $0x0  }
0xa0: {  	p3 =	sge.u32 s26, s8;
	s2 =	smov.u32 @p2 s0  }
0xa1: {  	s5 =	sxor.u32 @!p3 $0x1, s29;
	p4 =	slt.s32 s2, $0x1;
	s2 =	sadd.s32 @!p3 s7, s26  }
0xa2: {  	s0 =	sxor.u32 @!p4 $0x1, s29;
	p5 =	seq.s32 @!p3 s2, $0x30D;
	s2 =	sshll.u32 @!p3 s2, $0xB  }
0xa3: {  	s0 =	sor.u32 @!p4 $0x4, s0;
	s2 =	sand.u32 @!p3 $0x1FFFF800, s2;
	p5 =	por !p5, p3  }
0xa4: {  	s21 =	sshll.u32 @!p3 s5, $0xE;
	_ =	swait.ge @!p4 [sflag:s0], $0x4000;
	s2 =	simm.s32 @!p5 $0x186200  }
0xa5: {  	s5 =	sadd.s32 @!p3 $0x1, s5;
	[sflag:s0] =	ssyncset.done @!p4 $0x0;
	s2 =	sadd.s32 @!p3 s1, s2  }
0xa6: {  	[sflag:s0] =	ssyncadd.s32 @!p4 $0xFFFFC000;
	s0 =	sor.u32 @!p3 $0x1000, s21;
	s21 =	simm.s32 @!p3 $0x0  }
0xa7: {  	[tilespmem:s0], [sflag:s5] =	stream.linear.gather @!p3 [hbm4b:s2+s21], $0x4000, $0x38;
	[tilespmem:$0xDC00] =	vst v63  }
0xa8: {  	s21 =	sadd.s32 $0x1, s29  }
0xa9: {  	_ =	swait.ge [sflag:s21], $0x4000  }
0xaa: {  	s30 =	sshll.u32 s3, $0x9;
	[sflag:s21] =	ssyncset.done $0x0  }
0xab: {  	s0 =	sshra.s32 s30, $0x2;
	[sflag:s21] =	ssyncadd.s32 $0xFFFFC000  }
0xac: {  	v5 =	vld [tilespmem:s0+$0x0]  }
0xad: {  	v6 =	vld [tilespmem:s0+$0x70];
	_ =	sdelay $0x3  }
0xae: {  	v5 =	vxor.u32 $0x80000000, v5  }
0xaf: {  	(xrf0) =	vmin.scan.msk.u32 $0xffff, v5;
	v5 =	vxor.u32 $0x80000000, v6  }
0xb0: {  	(xrf0) =	vmax.scan.msk.u32 $0xffff, v5;
	_ =	sdelay $0x4  }
0xb1: {  	v5, _, _ =	vpop (xrf0)  }
0xb2: {  	(v2sf) =	vpush v5, $0xF;
	v5, _, _ =	vpop (xrf0)  }
0xb3: {  	(v2sf) =	vpush v5, $0xF;
	_ =	sdelay $0xd  }
0xb4: {  	s28 =	spop (v2sf)  }
0xb5: {  	s2 =	spop (v2sf)  }
0xb6: {  	p3 =	sne.s32 @!p0 s28, s2  }
0xb7: {  	p3 =	por p0, p3  }
.Ltmp11:
0xb8: {  	_ = 	snop;
	(pc) =	sbr.rel @p3 .LBB2_18-.Ltmp11, $1  }
0xb9: {  	_ =	sdelay $0x3  }
0xba: {  	s0 =	simm.s32 $0x1  }
0xbb: {  	s0 =	simm.s32 @!p1 $0x0  }
0xbc: {  	s0 =	sshll.u32 s0, $0xE  }
0xbd: {  	s0 =	sor.u32 $0x1040, s0  }
0xbe: {  	v6 =	vmov s0;
	_ =	sdelay $0x3  }
0xbf: {  	s2 =	simm.s32 $0x0  }
0xc0: {  	v5 =	vld.idx.msk [tilespmem:v6+s2+$0x30 ss:$0x1], $0xffff  }
0xc1: {  	v7 =	vld.idx.msk [tilespmem:v6+s2+$0xFFFFFFC0 ss:$0x1], $0xffff  }
0xc2: {  	v9 =	vld.idx.msk [tilespmem:v6+s2+$0xFFFFFFD0 ss:$0x1], $0xffff  }
0xc3: {  	v10 =	vld.idx.msk [tilespmem:v6+s2+$0xFFFFFFE0 ss:$0x1], $0xffff  }
0xc4: {  	v11 =	vld.idx.msk [tilespmem:v6+s2+$0xFFFFFFF0 ss:$0x1], $0xffff  }
0xc5: {  	v8 =	vimm.f32 $0.0e+00;
	v16 =	vimm.f32 $0.0e+00;
	v12 =	vld.idx.msk [tilespmem:v6+s2+$0x0 ss:$0x1], $0xffff  }
0xc6: {  	v14 =	vimm.f32 $0.0e+00;
	v18 =	vimm.f32 $0.0e+00;
	v17 =	vimm.f32 $0.0e+00;
	v13 =	vld.idx.msk [tilespmem:v6+s2+$0x10 ss:$0x1], $0xffff  }
0xc7: {  	s29 =	simm.s32 $0x80;
	v15 =	vimm.f32 $0.0e+00;
	s0 =	simm.s32 $0x400;
	v19 =	vld.idx.msk [tilespmem:v6+s2+$0x20 ss:$0x1], $0xffff;
	v5 =	vadd.f32 v5, v8;
	v7 =	vadd.f32 v7, v8  }
.LBB2_16:
0xc8: {  	p3 =	sne.s32 s0, $0xFE00;
	v20 =	vld.idx.msk [tilespmem:v6+s29+$0x30 ss:$0x1], $0xffff;
	v8 =	vadd.f32 v9, v8  }
0xc9: {  	v16 =	vadd.f32 v10, v16;
	v21 =	vld.idx.msk [tilespmem:v6+s29+$0xFFFFFFC0 ss:$0x1], $0xffff  }
0xca: {  	v14 =	vadd.f32 v11, v14;
	v9 =	vld.idx.msk [tilespmem:v6+s29+$0xFFFFFFD0 ss:$0x1], $0xffff  }
.Ltmp12:
0xcb: {  	v18 =	vadd.f32 v12, v18;
	v10 =	vld.idx.msk [tilespmem:v6+s29+$0xFFFFFFE0 ss:$0x1], $0xffff;
	(pc) =	sbr.rel @p3 .LBB2_16-.Ltmp12, $4  }
0xcc: {  	v17 =	vadd.f32 v13, v17;
	v11 =	vld.idx.msk [tilespmem:v6+s29+$0xFFFFFFF0 ss:$0x1], $0xffff  }
0xcd: {  	v15 =	vadd.f32 v19, v15;
	v12 =	vld.idx.msk [tilespmem:v6+s29+$0x0 ss:$0x1], $0xffff  }
0xce: {  	v5 =	vadd.f32 v20, v5;
	v13 =	vld.idx.msk [tilespmem:v6+s29+$0x10 ss:$0x1], $0xffff  }
0xcf: {  	v7 =	vadd.f32 v21, v7;
	v19 =	vld.idx.msk [tilespmem:v6+s29+$0x20 ss:$0x1], $0xffff;
	s29 =	sshra.s32 s0, $0x2;
	s0 =	sadd.s32 $0x200, s0  }
0xd0: {  	_ =	sdelay $0x3  }
0xd1: {  	v20 =	vld.idx.msk [tilespmem:v6+s29+$0x30 ss:$0x1], $0xffff  }
0xd2: {  	v21 =	vld.idx.msk [tilespmem:v6+s29+$0xFFFFFFC0 ss:$0x1], $0xffff  }
0xd3: {  	v22 =	vld.idx.msk [tilespmem:v6+s29+$0xFFFFFFD0 ss:$0x1], $0xffff  }
0xd4: {  	v23 =	vld.idx.msk [tilespmem:v6+s29+$0xFFFFFFE0 ss:$0x1], $0xffff  }
0xd5: {  	v24 =	vld.idx.msk [tilespmem:v6+s29+$0xFFFFFFF0 ss:$0x1], $0xffff  }
0xd6: {  	v25 =	vld.idx.msk [tilespmem:v6+s29+$0x0 ss:$0x1], $0xffff;
	s0 =	ssub.s32 s28, s25  }
0xd7: {  	v26 =	vld.idx.msk [tilespmem:v6+s29+$0x10 ss:$0x1], $0xffff;
	s0 =	sshll.u32 s0, $0x9  }
0xd8: {  	v6 =	vld.idx.msk [tilespmem:v6+s29+$0x20 ss:$0x1], $0xffff;
	s0 =	sshra.s32 s0, $0x2  }
0xd9: {  	v27 =	vld [tilespmem:s0+$0xB800]  }
0xda: {  	v8 =	vadd.f32 v9, v8;
	v54 =	vadd.f32 v10, v16;
	v55 =	vld [tilespmem:s0+$0xB810]  }
0xdb: {  	v11 =	vadd.f32 v11, v14;
	v12 =	vadd.f32 v12, v18;
	v57 =	vld [tilespmem:s0+$0xB830]  }
0xdc: {  	v13 =	vadd.f32 v13, v17;
	v59 =	vld [tilespmem:s0+$0xB850];
	v7 =	vadd.f32 v21, v7  }
0xdd: {  	v60 =	vld [tilespmem:s0+$0xB860];
	v15 =	vadd.f32 v19, v15;
	v8 =	vadd.f32 v22, v8  }
0xde: {  	v56 =	vld [tilespmem:s0+$0xB820];
	v11 =	vadd.f32 v24, v11;
	v7 =	vadd.f32 v27, v7  }
0xdf: {  	v61 =	vld [tilespmem:s0+$0xB870];
	v13 =	vadd.f32 v26, v13;
	v8 =	vadd.f32 v55, v8  }
0xe0: {  	v58 =	vld [tilespmem:s0+$0xB840];
	v6 =	vadd.f32 v6, v15;
	v62 =	vadd.f32 v57, v11;
	[tilespmem:s0+$0xB800] =	vst v7  }
0xe1: {  	v9 =	vadd.f32 v23, v54;
	v63 =	vadd.f32 v59, v13;
	[tilespmem:s0+$0xB810] =	vst v8  }
0xe2: {  	v5 =	vadd.f32 v20, v5;
	v6 =	vadd.f32 v60, v6;
	[tilespmem:s0+$0xB830] =	vst v62  }
.Ltmp13:
0xe3: {  	v12 =	vadd.f32 v25, v12;
	v7 =	vadd.f32 v56, v9;
	[tilespmem:s0+$0xB850] =	vst v63;
	(pc) =	sbr.rel .LBB2_19-.Ltmp13, $4  }
0xe4: {  	v5 =	vadd.f32 v61, v5;
	[tilespmem:s0+$0xB860] =	vst v6  }
0xe5: {  	[tilespmem:s0+$0xB820] =	vst v7;
	v7 =	vadd.f32 v58, v12  }
0xe6: {  	[tilespmem:s0+$0xB870] =	vst v5  }
0xe7: {  	[tilespmem:s0+$0xB840] =	vst v7;
	s0 =	simm.s32 $0x0  }
.LBB2_2:
.Ltmp14:
0xe8: {  	(pc) =	sbr.rel .LBB2_7-.Ltmp14, $3  }
0xe9: {  	_ =	sdelay $0x1  }
0xea: {  	s26 =	simm.s32 $0x0  }
0xeb: {  	s28 =	smov.u32 s18;
	p3 =	por p0, p0;
	p4 =	por $0x0, $0x0  }
.LBB2_8:
.Ltmp15:
0xec: {  	(pc) =	sbr.rel .LBB2_11-.Ltmp15, $2  }
0xed: {  	_ =	sdelay $0x2  }
0xee: {  	_ = 	snop  }
.LBB2_4:
.Ltmp16:
0xef: {  	(pc) =	sbr.rel .LBB2_7-.Ltmp16, $2  }
0xf0: {  	_ =	sdelay $0x2  }
0xf1: {  	s30 =	smov.u32 s18;
	s31 =	simm.s32 $0x0  }
.LBB2_21:
0xf2: {  	_ =	sfence.sel $0x180000  }
0xf3: {  	[bflag:$0x0] =	sbarrier.arrive $0xFFFF  }
0xf4: {  	_ =	strace $0x90000047  }
0xf5: {  	s0 =	stileid.u32;
	[bflag:$0x2] =	sbarrier.arrive $0xFFFF  }
0xf6: {  	p0 =	sne.s32 s0, $0x0;
	s0 =	rddreg [dreg:$0x5]  }
0xf7: {  	s0 =	sadd.s32 @!p0 $0x100000, s0  }
0xf8: {  	[sflag:s0] =	ssyncadd.tile.s32 @!p0 $0x1;
	_ =	shalt  }
.Lfunc_end2:
_tile_overlayer_lowered:
.L_overlay_start_2:
0xf9: {  	(tag) =	ssettag $0x2  }
0xfa: {  	s0 =	rddreg [dreg:$0x0];
	s2 =	stileid.u32  }
0xfb: {  	s1 =	rddreg [dreg:$0x1];
	p0 =	sne.s32 s2, $0x0  }
0xfc: {  	s3 =	rddreg [dreg:$0x2];
	[bflag:$0x3] =	sbarrier.arrive $0xFFFF;
	s2 =	simm.s32 @!p0 $0x1C06  }
0xfd: {  	[timem:s3], [sflag:s2] =	dma.local @!p0 [hbm:s0], s1  }
0xfe: {  	s0 =	simm.s32 @!p0 $0x6  }
0xff: {  	_ =	swait.ge @!p0 [sflag:s0], s1  }
0x100: {  	s1 =	ssub.s32 @!p0 $0x0, s1;
	[sflag:s0] =	ssyncset.done @!p0 $0x0  }
0x101: {  	[sflag:s0] =	ssyncadd.s32 @!p0 s1  }
0x102: {  	[bflag:$0x3] =	sbarrier.arrive $0xFFFF  }
0x103: {  	_ =	shalt  }

</sc_bundles>
